<compile_context>
chip_gen: v7x
topology: tpu7x:2x2x1
jax: 0.10.2.dev20260603
libtpu: 0.0.44.dev20260713+nightly
codegen_flags: <defaults>
</compile_context>

<pallas_src>
import functools

import jax
import jax.numpy as jnp
from jax import lax
from jax.experimental import pallas as pl
from jax.experimental.pallas import tpu as pltpu
from jax.experimental.pallas import tpu_sc as plsc

N_NODES = 10000
N_EDGES = 320000
D = 128

NC = 2
NS = 16
NW = NC * NS
L = 16

CHUNK = 128
CHUNKS_PER_TILE = 80
GROUP = 8
GROUPS = CHUNKS_PER_TILE // GROUP
G0 = 18
G1 = 2 * GROUPS - G0
GMAX = max(G0, G1)
H0 = 14
H1 = 2 * GROUPS - H0
HMAX = max(H0, H1)
E_PAD = NW * CHUNKS_PER_TILE * CHUNK
EROWS = E_PAD // CHUNK
ROWS_PAD = 10112
STRIPE = ROWS_PAD // NS

NPG = 10240
NODES_PER_TILE = NPG // NW
GCHUNK = 40
GCHUNKS = NODES_PER_TILE // GCHUNK

_MESH = plsc.VectorSubcoreMesh(core_axis_name="c", subcore_axis_name="s")


@functools.partial(
    pl.kernel,
    mesh=_MESH,
    out_type=[
        jax.ShapeDtypeStruct((ROWS_PAD, D), jnp.float32),
        jax.ShapeDtypeStruct((ROWS_PAD, D), jnp.float32),
        jax.ShapeDtypeStruct((ROWS_PAD, D), jnp.float32),
        jax.ShapeDtypeStruct((ROWS_PAD, D), jnp.float32),
    ],
    scratch_types=[
        pltpu.VMEM((2, GROUP, CHUNK), jnp.int32),
        pltpu.VMEM((CHUNK, D), jnp.float32),
        pltpu.VMEM((CHUNK, D), jnp.float32),
        pltpu.VMEM_SHARED((ROWS_PAD, D), jnp.float32),
        pltpu.SemaphoreType.DMA,
        pltpu.SemaphoreType.DMA,
    ],
)
def _sc_scatter(edges3d, feat, zsum, ones_hbm,
                sums0, sums1, deg0, deg1,
                idx_v, rows_a, rows_b, acc, sem_a, sem_b):
    c = lax.axis_index("c")
    s = lax.axis_index("s")
    w = s * NC + c

    stripe = pl.ds(s * STRIPE, STRIPE)

    pltpu.sync_copy(zsum.at[stripe], acc.at[stripe])

    plsc.subcore_barrier()

    base_group = jnp.where(c == 0, s * G0, NS * G0 + s * G1)
    ngroups = jnp.where(c == 0, G0, G1)

    def group_body(g, carry):
        @pl.when(g < ngroups)
        def _():
            slab = pl.ds((base_group + g) * GROUP, GROUP)
            pltpu.sync_copy(edges3d.at[:, slab], idx_v)
            pltpu.async_copy(feat.at[idx_v.at[0, 0]], rows_a, sem_a)

            def pair_body(j2, carry2):
                c0 = 2 * j2
                pltpu.make_async_copy(feat.at[idx_v.at[0, c0]], rows_a, sem_a).wait()
                pltpu.async_copy(feat.at[idx_v.at[0, c0 + 1]], rows_b, sem_b)
                pltpu.sync_copy(rows_a, acc.at[idx_v.at[1, c0]], add=True)
                pltpu.make_async_copy(feat.at[idx_v.at[0, c0 + 1]], rows_b,
                                      sem_b).wait()

                @pl.when(j2 < GROUP // 2 - 1)
                def _():
                    pltpu.async_copy(feat.at[idx_v.at[0, c0 + 2]], rows_a, sem_a)

                pltpu.sync_copy(rows_b, acc.at[idx_v.at[1, c0 + 1]], add=True)
                return carry2

            lax.fori_loop(0, GROUP // 2, pair_body, 0)

        return carry

    lax.fori_loop(0, GMAX, group_body, 0)

    plsc.subcore_barrier()

    @pl.when(c == 0)
    def _():
        pltpu.sync_copy(acc.at[stripe], sums0.at[stripe])

    @pl.when(c == 1)
    def _():
        pltpu.sync_copy(acc.at[stripe], sums1.at[stripe])

    pltpu.sync_copy(zsum.at[stripe], acc.at[stripe])
    pltpu.sync_copy(ones_hbm, rows_a)

    plsc.subcore_barrier()

    base2 = jnp.where(c == 0, s * H0, NS * H0 + s * H1)
    ngroups2 = jnp.where(c == 0, H0, H1)

    def group2_body(g, carry):
        @pl.when(g < ngroups2)
        def _():
            slab = pl.ds((base2 + g) * GROUP, GROUP)
            pltpu.sync_copy(edges3d.at[:, slab], idx_v)

            def pair2_body(j2, carry2):
                c0 = 2 * j2
                ca = pltpu.async_copy(rows_a, acc.at[idx_v.at[1, c0]], sem_a,
                                      add=True)
                cb = pltpu.async_copy(rows_a, acc.at[idx_v.at[1, c0 + 1]], sem_b,
                                      add=True)
                ca.wait()
                cb.wait()
                return carry2

            lax.fori_loop(0, GROUP // 2, pair2_body, 0)

        return carry

    lax.fori_loop(0, HMAX, group2_body, 0)

    plsc.subcore_barrier()

    @pl.when(c == 0)
    def _():
        pltpu.sync_copy(acc.at[stripe], deg0.at[stripe])

    @pl.when(c == 1)
    def _():
        pltpu.sync_copy(acc.at[stripe], deg1.at[stripe])


@functools.partial(
    pl.kernel,
    mesh=_MESH,
    out_type=[
        jax.ShapeDtypeStruct((NPG, D), jnp.float32),
        jax.ShapeDtypeStruct((NPG, D), jnp.float32),
    ],
    scratch_types=[
        pltpu.VMEM((GCHUNK,), jnp.int32),
        pltpu.VMEM((GCHUNK, D), jnp.float32),
        pltpu.VMEM((GCHUNK, D), jnp.float32),
        pltpu.SemaphoreType.DMA,
        pltpu.SemaphoreType.DMA,
    ],
)
def _sc_gather(nodes1d, feat, mean, self_o, neigh_o, idx_v, fa, fb, sem_a, sem_b):
    c = lax.axis_index("c")
    s = lax.axis_index("s")
    w = s * NC + c

    def body(j, carry):
        nbase = w * NODES_PER_TILE + j * GCHUNK
        out_row = pl.ds(nbase, GCHUNK)
        pltpu.sync_copy(nodes1d.at[pl.ds(nbase, GCHUNK)], idx_v)
        pltpu.async_copy(feat.at[idx_v], fa, sem_a)
        pltpu.async_copy(mean.at[idx_v], fb, sem_b)
        pltpu.make_async_copy(feat.at[idx_v], fa, sem_a).wait()
        pltpu.make_async_copy(mean.at[idx_v], fb, sem_b).wait()
        pltpu.sync_copy(fa, self_o.at[out_row])
        pltpu.sync_copy(fb, neigh_o.at[out_row])
        return carry

    lax.fori_loop(0, GCHUNKS, body, 0)


def _tc_mean(s0_ref, s1_ref, d0_ref, d1_ref, mean_ref):
    deg = d0_ref[:, 0:1] + d1_ref[:, 0:1]
    inv = 1.0 / jnp.maximum(deg, 1.0)
    mean_ref[...] = (s0_ref[...] + s1_ref[...]) * inv


def _tc_mlp(self_ref, neigh_ref, w1_ref, b1_ref, out_ref):
    acc = jnp.dot(self_ref[...], w1_ref[0:D, :], preferred_element_type=jnp.float32)
    acc = acc + jnp.dot(neigh_ref[...], w1_ref[D:2 * D, :],
                        preferred_element_type=jnp.float32)
    out_ref[...] = jnp.maximum(acc + b1_ref[...], 0.0)


def kernel(nodes, edge_index, feat_table, W1, b1):
    src = edge_index[0]
    dst = edge_index[1]
    pad_dst = N_NODES + jnp.arange(E_PAD - N_EDGES, dtype=jnp.int32) % (
        ROWS_PAD - N_NODES)
    src_p = jnp.concatenate([src, jnp.zeros((E_PAD - N_EDGES,), jnp.int32)])
    dst_p = jnp.concatenate([dst, pad_dst])
    edges3d = jnp.stack([src_p, dst_p]).reshape(2, EROWS, CHUNK)
    nodes_p = jnp.concatenate([nodes, jnp.zeros((NPG - N_NODES,), jnp.int32)])

    zsum = jnp.zeros((ROWS_PAD, D), jnp.float32)
    ones = jnp.ones((CHUNK, D), jnp.float32)

    sums0, sums1, deg0, deg1 = _sc_scatter(edges3d, feat_table, zsum, ones)

    MBM = 1264
    mean = pl.pallas_call(
        _tc_mean,
        grid=(ROWS_PAD // MBM,),
        in_specs=[
            pl.BlockSpec((MBM, D), lambda i: (i, 0)),
            pl.BlockSpec((MBM, D), lambda i: (i, 0)),
            pl.BlockSpec((MBM, D), lambda i: (i, 0)),
            pl.BlockSpec((MBM, D), lambda i: (i, 0)),
        ],
        out_specs=pl.BlockSpec((MBM, D), lambda i: (i, 0)),
        out_shape=jax.ShapeDtypeStruct((ROWS_PAD, D), jnp.float32),
    )(sums0, sums1, deg0, deg1)

    self_f, neigh = _sc_gather(nodes_p, feat_table, mean)

    b1r = b1.reshape(1, D)
    MB = 1024
    out = pl.pallas_call(
        _tc_mlp,
        grid=(NPG // MB,),
        in_specs=[
            pl.BlockSpec((MB, D), lambda i: (i, 0)),
            pl.BlockSpec((MB, D), lambda i: (i, 0)),
            pl.BlockSpec((2 * D, D), lambda i: (0, 0)),
            pl.BlockSpec((1, D), lambda i: (0, 0)),
        ],
        out_specs=pl.BlockSpec((MB, D), lambda i: (i, 0)),
        out_shape=jax.ShapeDtypeStruct((NPG, D), jnp.float32),
    )(self_f, neigh, W1, b1r)

    return out[:N_NODES]

# --- scband reference (transcript-rebuilt; emitter-appended) ---
"""Pipeline reference for scband-social-encoder-74431783239688 (READ-ONLY COPY).

The authoritative reference and input builder live on the scoring server;
editing this copy changes nothing except your own understanding.
"""

import jax, jax.numpy as jnp
import numpy as np

N_NODES = 10000
N_EDGES = 320000
EMBED_DIM = 128


def setup_inputs(seed: int = 0) -> dict:
    key = jax.random.key(seed)
    k1, k2, k3, k4 = jax.random.split(key, 4)
    # forward arg
    nodes = jax.random.randint(k1, (N_NODES,), 0, N_NODES, dtype=jnp.int32)
    # graph structure owned by the aggregator (edge_index[0]=src, edge_index[1]=dst)
    edge_index = jax.random.randint(k2, (2, N_EDGES), 0, N_NODES, dtype=jnp.int32)
    # learned parameters: features is a lookup table; linear1 is [2d -> d]
    feat_table = jax.random.normal(k3, (N_NODES, EMBED_DIM), dtype=jnp.float32)
    W1 = jax.random.normal(k4, (2 * EMBED_DIM, EMBED_DIM), dtype=jnp.float32) * 0.05
    b1 = jnp.zeros((EMBED_DIM,), dtype=jnp.float32)
    return {"nodes": nodes, "edge_index": edge_index, "feat_table": feat_table, "W1": W1, "b1": b1}


def reference(nodes, edge_index, feat_table, W1, b1):
    n = feat_table.shape[0]
    src = edge_index[0]
    dst = edge_index[1]
    # aggregator.forward(nodes): mean of neighbor features (gather + scatter-add)
    msgs = jnp.take(feat_table, src, axis=0)
    sums = jax.ops.segment_sum(msgs, dst, num_segments=n)
    deg = jax.ops.segment_sum(jnp.ones((src.shape[0],), jnp.float32), dst, num_segments=n)
    mean_neigh = sums / jnp.clip(deg, 1.0)[:, None]
    neigh_feats = jnp.take(mean_neigh, nodes, axis=0)
    # features.forward(nodes): embedding lookup
    self_feats = jnp.take(feat_table, nodes, axis=0)
    combined = jnp.concatenate([self_feats, neigh_feats], axis=1)
    combined = jax.nn.relu(combined @ W1 + b1)
    return combined

if __name__ == "__main__":
    import jax
    _d = setup_inputs()
    print(jax.jit(kernel)(*tuple(_d.values())))

</pallas_src>

<mosaic_0001>
#map = affine_map<(d0, d1) -> (0)>
#map1 = affine_map<(d0, d1) -> (0, 0)>
module attributes {stable_mosaic.version = 14 : i64} {
  func.func @_sc_gather(%arg0: i32, %arg1: i32, %arg2: memref<10240xi32, #tpu.memory_space<hbm>>, %arg3: memref<10000x128xf32, #tpu.memory_space<hbm>>, %arg4: memref<10112x128xf32, #tpu.memory_space<hbm>>, %arg5: memref<10240x128xf32, #tpu.memory_space<hbm>>, %arg6: memref<10240x128xf32, #tpu.memory_space<hbm>>, %arg7: memref<40xi32, #tpu.memory_space<vmem>>, %arg8: memref<40x128xf32, #tpu.memory_space<vmem>>, %arg9: memref<40x128xf32, #tpu.memory_space<vmem>>, %arg10: memref<!tpu.dma_semaphore, #tpu.memory_space<semaphore_mem>>, %arg11: memref<!tpu.dma_semaphore, #tpu.memory_space<semaphore_mem>>) attributes {dimension_semantics = [#tpu.dimension_semantics<core_parallel>, #tpu.dimension_semantics<subcore_parallel>], iteration_bounds = array<i64: 2, 16>, scalar_prefetch = 0 : i64, scratch_operands = 5 : i64, tpu.core_type = #tpu.core_type<sc_vector_subcore>, window_params = [{transform_indices = #map}, {transform_indices = #map1}, {transform_indices = #map1}, {transform_indices = #map1}, {transform_indices = #map1}]} {
    %mul3A = arith.constant 2 : i32
    %mul3A_0 = arith.muli %arg1, %mul3A : i32
    %add3A = arith.addi %mul3A_0, %arg0 : i32
    %scan3A = arith.constant 0 : i32
    %scan3A_1 = arith.constant 0 : i32
    %scan3A_2 = arith.constant 8 : i32
    %scan3A_3 = arith.addi %scan3A_1, %scan3A_2 : i32
    %scan3A_4 = arith.constant 1 : i32
    scf.for %scan3A_6 = %scan3A_1 to %scan3A_3 step %scan3A_4  : i32 {
      %mul3A_7 = arith.constant 320 : i32
      %mul3A_8 = arith.muli %add3A, %mul3A_7 : i32
      %mul3A_9 = arith.constant 40 : i32
      %mul3A_10 = arith.muli %scan3A_6, %mul3A_9 : i32
      %add3A_11 = arith.addi %mul3A_8, %mul3A_10 : i32
      "tpu.region"() ({
        %run_scoped3A = tpu.sem_alloc : memref<!tpu.dma_semaphore, #tpu.memory_space<semaphore_mem>>
        %dma_start3A_22 = tpu.memref_slice %arg2[%add3A_11] : memref<10240xi32, #tpu.memory_space<hbm>> -> memref<40xi32, #tpu.memory_space<hbm>>
        %dma_start3A_23 = tpu.memref_slice %arg2[%add3A_11] : memref<10240xi32, #tpu.memory_space<hbm>> -> memref<40xi32, #tpu.memory_space<hbm>>
        tpu.enqueue_dma source(%dma_start3A_23 : memref<40xi32, #tpu.memory_space<hbm>>) target(%arg7 : memref<40xi32, #tpu.memory_space<vmem>>) target_semaphore(%run_scoped3A : memref<!tpu.dma_semaphore, #tpu.memory_space<semaphore_mem>>)
        %dma_wait3A_24 = tpu.memref_slice %arg2[%add3A_11] : memref<10240xi32, #tpu.memory_space<hbm>> -> memref<40xi32, #tpu.memory_space<hbm>>
        %dma_wait3A_25 = tpu.memref_slice %arg2[%add3A_11] : memref<10240xi32, #tpu.memory_space<hbm>> -> memref<40xi32, #tpu.memory_space<hbm>>
        tpu.wait_dma2 semaphore(%run_scoped3A : memref<!tpu.dma_semaphore, #tpu.memory_space<semaphore_mem>>) src(%dma_wait3A_25 : memref<40xi32, #tpu.memory_space<hbm>>) dst(%arg7 : memref<40xi32, #tpu.memory_space<vmem>>)
        tpu.yield
      }) : () -> ()
      %dma_start3A = arith.constant 0 : i32
      %dma_start3A_12 = arith.constant 0 : i32
      %dma_start3A_13 = tpu.memref_slice %arg3[%dma_start3A, %dma_start3A_12] : memref<10000x128xf32, #tpu.memory_space<hbm>> -> memref<10000x128xf32, #tpu.memory_space<hbm>>
      tpu.enqueue_indirect_dma source(%dma_start3A_13 : memref<10000x128xf32, #tpu.memory_space<hbm>>) target(%arg8 : memref<40x128xf32, #tpu.memory_space<vmem>>) offsets(%arg7 : memref<40xi32, #tpu.memory_space<vmem>>) semaphore(%arg10 : memref<!tpu.dma_semaphore, #tpu.memory_space<semaphore_mem>>)
      %dma_start3A_14 = arith.constant 0 : i32
      %dma_start3A_15 = arith.constant 0 : i32
      %dma_start3A_16 = tpu.memref_slice %arg4[%dma_start3A_14, %dma_start3A_15] : memref<10112x128xf32, #tpu.memory_space<hbm>> -> memref<10112x128xf32, #tpu.memory_space<hbm>>
      tpu.enqueue_indirect_dma source(%dma_start3A_16 : memref<10112x128xf32, #tpu.memory_space<hbm>>) target(%arg9 : memref<40x128xf32, #tpu.memory_space<vmem>>) offsets(%arg7 : memref<40xi32, #tpu.memory_space<vmem>>) semaphore(%arg11 : memref<!tpu.dma_semaphore, #tpu.memory_space<semaphore_mem>>)
      %dma_wait3A = arith.constant 0 : i32
      %dma_wait3A_17 = arith.constant 0 : i32
      %dma_wait3A_18 = tpu.memref_slice %arg3[%dma_wait3A, %dma_wait3A_17] : memref<10000x128xf32, #tpu.memory_space<hbm>> -> memref<10000x128xf32, #tpu.memory_space<hbm>>
      tpu.wait_indirect_dma semaphore(%arg10 : memref<!tpu.dma_semaphore, #tpu.memory_space<semaphore_mem>>) src(%dma_wait3A_18 : memref<10000x128xf32, #tpu.memory_space<hbm>>) dst(%arg8 : memref<40x128xf32, #tpu.memory_space<vmem>>)
      %dma_wait3A_19 = arith.constant 0 : i32
      %dma_wait3A_20 = arith.constant 0 : i32
      %dma_wait3A_21 = tpu.memref_slice %arg4[%dma_wait3A_19, %dma_wait3A_20] : memref<10112x128xf32, #tpu.memory_space<hbm>> -> memref<10112x128xf32, #tpu.memory_space<hbm>>
      tpu.wait_indirect_dma semaphore(%arg11 : memref<!tpu.dma_semaphore, #tpu.memory_space<semaphore_mem>>) src(%dma_wait3A_21 : memref<10112x128xf32, #tpu.memory_space<hbm>>) dst(%arg9 : memref<40x128xf32, #tpu.memory_space<vmem>>)
      "tpu.region"() ({
        %run_scoped3A = tpu.sem_alloc : memref<!tpu.dma_semaphore, #tpu.memory_space<semaphore_mem>>
        %dma_start3A_22 = arith.constant 0 : i32
        %dma_start3A_23 = tpu.memref_slice %arg5[%add3A_11, %dma_start3A_22] : memref<10240x128xf32, #tpu.memory_space<hbm>> -> memref<40x128xf32, #tpu.memory_space<hbm>>
        %dma_start3A_24 = arith.constant 0 : i32
        %dma_start3A_25 = tpu.memref_slice %arg5[%add3A_11, %dma_start3A_24] : memref<10240x128xf32, #tpu.memory_space<hbm>> -> memref<40x128xf32, #tpu.memory_space<hbm>>
        tpu.enqueue_dma source(%arg8 : memref<40x128xf32, #tpu.memory_space<vmem>>) target(%dma_start3A_25 : memref<40x128xf32, #tpu.memory_space<hbm>>) target_semaphore(%run_scoped3A : memref<!tpu.dma_semaphore, #tpu.memory_space<semaphore_mem>>)
        %dma_wait3A_26 = arith.constant 0 : i32
        %dma_wait3A_27 = tpu.memref_slice %arg5[%add3A_11, %dma_wait3A_26] : memref<10240x128xf32, #tpu.memory_space<hbm>> -> memref<40x128xf32, #tpu.memory_space<hbm>>
        %dma_wait3A_28 = arith.constant 0 : i32
        %dma_wait3A_29 = tpu.memref_slice %arg5[%add3A_11, %dma_wait3A_28] : memref<10240x128xf32, #tpu.memory_space<hbm>> -> memref<40x128xf32, #tpu.memory_space<hbm>>
        tpu.wait_dma2 semaphore(%run_scoped3A : memref<!tpu.dma_semaphore, #tpu.memory_space<semaphore_mem>>) src(%arg8 : memref<40x128xf32, #tpu.memory_space<vmem>>) dst(%dma_wait3A_29 : memref<40x128xf32, #tpu.memory_space<hbm>>)
        tpu.yield
      }) : () -> ()
      "tpu.region"() ({
        %run_scoped3A = tpu.sem_alloc : memref<!tpu.dma_semaphore, #tpu.memory_space<semaphore_mem>>
        %dma_start3A_22 = arith.constant 0 : i32
        %dma_start3A_23 = tpu.memref_slice %arg6[%add3A_11, %dma_start3A_22] : memref<10240x128xf32, #tpu.memory_space<hbm>> -> memref<40x128xf32, #tpu.memory_space<hbm>>
        %dma_start3A_24 = arith.constant 0 : i32
        %dma_start3A_25 = tpu.memref_slice %arg6[%add3A_11, %dma_start3A_24] : memref<10240x128xf32, #tpu.memory_space<hbm>> -> memref<40x128xf32, #tpu.memory_space<hbm>>
        tpu.enqueue_dma source(%arg9 : memref<40x128xf32, #tpu.memory_space<vmem>>) target(%dma_start3A_25 : memref<40x128xf32, #tpu.memory_space<hbm>>) target_semaphore(%run_scoped3A : memref<!tpu.dma_semaphore, #tpu.memory_space<semaphore_mem>>)
        %dma_wait3A_26 = arith.constant 0 : i32
        %dma_wait3A_27 = tpu.memref_slice %arg6[%add3A_11, %dma_wait3A_26] : memref<10240x128xf32, #tpu.memory_space<hbm>> -> memref<40x128xf32, #tpu.memory_space<hbm>>
        %dma_wait3A_28 = arith.constant 0 : i32
        %dma_wait3A_29 = tpu.memref_slice %arg6[%add3A_11, %dma_wait3A_28] : memref<10240x128xf32, #tpu.memory_space<hbm>> -> memref<40x128xf32, #tpu.memory_space<hbm>>
        tpu.wait_dma2 semaphore(%run_scoped3A : memref<!tpu.dma_semaphore, #tpu.memory_space<semaphore_mem>>) src(%arg9 : memref<40x128xf32, #tpu.memory_space<vmem>>) dst(%dma_wait3A_29 : memref<40x128xf32, #tpu.memory_space<hbm>>)
        tpu.yield
      }) : () -> ()
    }
    %scan3A_5 = arith.constant 8 : i32
    return
  }
}

#map = affine_map<(d0, d1) -> (0, 0, 0)>
#map1 = affine_map<(d0, d1) -> (0, 0)>
module attributes {stable_mosaic.version = 14 : i64} {
  func.func @_sc_scatter(%arg0: i32, %arg1: i32, %arg2: memref<2x2560x128xi32, #tpu.memory_space<hbm>>, %arg3: memref<10000x128xf32, #tpu.memory_space<hbm>>, %arg4: memref<10112x128xf32, #tpu.memory_space<hbm>>, %arg5: memref<128x128xf32, #tpu.memory_space<hbm>>, %arg6: memref<10112x128xf32, #tpu.memory_space<hbm>>, %arg7: memref<10112x128xf32, #tpu.memory_space<hbm>>, %arg8: memref<10112x128xf32, #tpu.memory_space<hbm>>, %arg9: memref<10112x128xf32, #tpu.memory_space<hbm>>, %arg10: memref<2x8x128xi32, #tpu.memory_space<vmem>>, %arg11: memref<128x128xf32, #tpu.memory_space<vmem>>, %arg12: memref<128x128xf32, #tpu.memory_space<vmem>>, %arg13: memref<10112x128xf32, #tpu.memory_space<vmem_shared>>, %arg14: memref<!tpu.dma_semaphore, #tpu.memory_space<semaphore_mem>>, %arg15: memref<!tpu.dma_semaphore, #tpu.memory_space<semaphore_mem>>) attributes {dimension_semantics = [#tpu.dimension_semantics<core_parallel>, #tpu.dimension_semantics<subcore_parallel>], iteration_bounds = array<i64: 2, 16>, scalar_prefetch = 0 : i64, scratch_operands = 6 : i64, tpu.core_type = #tpu.core_type<sc_vector_subcore>, window_params = [{transform_indices = #map}, {transform_indices = #map1}, {transform_indices = #map1}, {transform_indices = #map1}, {transform_indices = #map1}, {transform_indices = #map1}, {transform_indices = #map1}, {transform_indices = #map1}]} {
    %mul3A = arith.constant 2 : i32
    %mul3A_0 = arith.muli %arg1, %mul3A : i32
    %add3A = arith.addi %mul3A_0, %arg0 : i32
    %mul3A_1 = arith.constant 632 : i32
    %mul3A_2 = arith.muli %arg1, %mul3A_1 : i32
    "tpu.region"() ({
      %run_scoped3A = tpu.sem_alloc : memref<!tpu.dma_semaphore, #tpu.memory_space<semaphore_mem>>
      %dma_start3A = arith.constant 0 : i32
      %dma_start3A_60 = tpu.memref_slice %arg13[%mul3A_2, %dma_start3A] : memref<10112x128xf32, #tpu.memory_space<vmem_shared>> -> memref<632x128xf32, #tpu.memory_space<vmem_shared>>
      %dma_start3A_61 = arith.constant 0 : i32
      %dma_start3A_62 = tpu.memref_slice %arg4[%mul3A_2, %dma_start3A_61] : memref<10112x128xf32, #tpu.memory_space<hbm>> -> memref<632x128xf32, #tpu.memory_space<hbm>>
      tpu.enqueue_dma source(%dma_start3A_62 : memref<632x128xf32, #tpu.memory_space<hbm>>) target(%dma_start3A_60 : memref<632x128xf32, #tpu.memory_space<vmem_shared>>) target_semaphore(%run_scoped3A : memref<!tpu.dma_semaphore, #tpu.memory_space<semaphore_mem>>)
      %dma_wait3A = arith.constant 0 : i32
      %dma_wait3A_63 = tpu.memref_slice %arg13[%mul3A_2, %dma_wait3A] : memref<10112x128xf32, #tpu.memory_space<vmem_shared>> -> memref<632x128xf32, #tpu.memory_space<vmem_shared>>
      %dma_wait3A_64 = arith.constant 0 : i32
      %dma_wait3A_65 = tpu.memref_slice %arg4[%mul3A_2, %dma_wait3A_64] : memref<10112x128xf32, #tpu.memory_space<hbm>> -> memref<632x128xf32, #tpu.memory_space<hbm>>
      tpu.wait_dma2 semaphore(%run_scoped3A : memref<!tpu.dma_semaphore, #tpu.memory_space<semaphore_mem>>) src(%dma_wait3A_65 : memref<632x128xf32, #tpu.memory_space<hbm>>) dst(%dma_wait3A_63 : memref<632x128xf32, #tpu.memory_space<vmem_shared>>)
      tpu.yield
    }) : () -> ()
    %barrier3A = arith.constant 0 : index
    tpu.barrier barrier_id(%barrier3A)
    %eq3A = arith.constant 0 : i32
    %eq3A_3 = arith.cmpi eq, %arg0, %eq3A : i32
    %mul3A_4 = arith.constant 18 : i32
    %mul3A_5 = arith.muli %arg1, %mul3A_4 : i32
    %mul3A_6 = arith.constant 2 : i32
    %mul3A_7 = arith.muli %arg1, %mul3A_6 : i32
    %add3A_8 = arith.constant 288 : i32
    %add3A_9 = arith.addi %add3A_8, %mul3A_7 : i32
    %select_n3A = arith.select %eq3A_3, %mul3A_5, %add3A_9 : i32
    %eq3A_10 = arith.constant 0 : i32
    %eq3A_11 = arith.cmpi eq, %arg0, %eq3A_10 : i32
    %jit3A = arith.constant 18 : i32
    %jit3A_12 = arith.constant 2 : i32
    %select_n3A_13 = arith.select %eq3A_11, %jit3A, %jit3A_12 : i32
    %scan3A = arith.constant 0 : i32
    %scan3A_14 = arith.constant 0 : i32
    %scan3A_15 = arith.constant 18 : i32
    %scan3A_16 = arith.addi %scan3A_14, %scan3A_15 : i32
    %scan3A_17 = arith.constant 1 : i32
    scf.for %scan3A_60 = %scan3A_14 to %scan3A_16 step %scan3A_17  : i32 {
      %lt3A = arith.cmpi slt, %scan3A_60, %select_n3A_13 : i32
      %convert_element_type3A_61 = arith.extui %lt3A : i1 to i32
      %cond3A_62 = arith.constant 0 : i32
      %cond3A_63 = arith.cmpi ne, %convert_element_type3A_61, %cond3A_62 : i32
      scf.if %cond3A_63 {
        %add3A_64 = arith.addi %select_n3A, %scan3A_60 : i32
        %mul3A_65 = arith.constant 8 : i32
        %mul3A_66 = arith.muli %add3A_64, %mul3A_65 : i32
        "tpu.region"() ({
          %run_scoped3A = tpu.sem_alloc : memref<!tpu.dma_semaphore, #tpu.memory_space<semaphore_mem>>
          %dma_start3A_80 = arith.constant 0 : i32
          %dma_start3A_81 = arith.constant 0 : i32
          %dma_start3A_82 = tpu.memref_slice %arg2[%dma_start3A_80, %mul3A_66, %dma_start3A_81] : memref<2x2560x128xi32, #tpu.memory_space<hbm>> -> memref<2x8x128xi32, #tpu.memory_space<hbm>>
          %dma_start3A_83 = arith.constant 0 : i32
          %dma_start3A_84 = arith.constant 0 : i32
          %dma_start3A_85 = tpu.memref_slice %arg2[%dma_start3A_83, %mul3A_66, %dma_start3A_84] : memref<2x2560x128xi32, #tpu.memory_space<hbm>> -> memref<2x8x128xi32, #tpu.memory_space<hbm>>
          tpu.enqueue_dma source(%dma_start3A_85 : memref<2x8x128xi32, #tpu.memory_space<hbm>>) target(%arg10 : memref<2x8x128xi32, #tpu.memory_space<vmem>>) target_semaphore(%run_scoped3A : memref<!tpu.dma_semaphore, #tpu.memory_space<semaphore_mem>>)
          %dma_wait3A = arith.constant 0 : i32
          %dma_wait3A_86 = arith.constant 0 : i32
          %dma_wait3A_87 = tpu.memref_slice %arg2[%dma_wait3A, %mul3A_66, %dma_wait3A_86] : memref<2x2560x128xi32, #tpu.memory_space<hbm>> -> memref<2x8x128xi32, #tpu.memory_space<hbm>>
          %dma_wait3A_88 = arith.constant 0 : i32
          %dma_wait3A_89 = arith.constant 0 : i32
          %dma_wait3A_90 = tpu.memref_slice %arg2[%dma_wait3A_88, %mul3A_66, %dma_wait3A_89] : memref<2x2560x128xi32, #tpu.memory_space<hbm>> -> memref<2x8x128xi32, #tpu.memory_space<hbm>>
          tpu.wait_dma2 semaphore(%run_scoped3A : memref<!tpu.dma_semaphore, #tpu.memory_space<semaphore_mem>>) src(%dma_wait3A_90 : memref<2x8x128xi32, #tpu.memory_space<hbm>>) dst(%arg10 : memref<2x8x128xi32, #tpu.memory_space<vmem>>)
          tpu.yield
        }) : () -> ()
        %dma_start3A = arith.constant 0 : i32
        %dma_start3A_67 = arith.constant 0 : i32
        %dma_start3A_68 = arith.constant 0 : i32
        %dma_start3A_69 = tpu.memref_slice %arg10[%dma_start3A, %dma_start3A_67, %dma_start3A_68] : memref<2x8x128xi32, #tpu.memory_space<vmem>> -> memref<1x1x128xi32, #tpu.memory_space<vmem>>
        %dma_start3A_70 = tpu.memref_squeeze %dma_start3A_69 : memref<1x1x128xi32, #tpu.memory_space<vmem>> -> memref<128xi32, #tpu.memory_space<vmem>>
        %dma_start3A_71 = arith.constant 0 : i32
        %dma_start3A_72 = arith.constant 0 : i32
        %dma_start3A_73 = tpu.memref_slice %arg3[%dma_start3A_71, %dma_start3A_72] : memref<10000x128xf32, #tpu.memory_space<hbm>> -> memref<10000x128xf32, #tpu.memory_space<hbm>>
        tpu.enqueue_indirect_dma source(%dma_start3A_73 : memref<10000x128xf32, #tpu.memory_space<hbm>>) target(%arg11 : memref<128x128xf32, #tpu.memory_space<vmem>>) offsets(%dma_start3A_70 : memref<128xi32, #tpu.memory_space<vmem>>) semaphore(%arg14 : memref<!tpu.dma_semaphore, #tpu.memory_space<semaphore_mem>>)
        %scan3A_74 = arith.constant 0 : i32
        %scan3A_75 = arith.constant 0 : i32
        %scan3A_76 = arith.constant 4 : i32
        %scan3A_77 = arith.addi %scan3A_75, %scan3A_76 : i32
        %scan3A_78 = arith.constant 1 : i32
        scf.for %scan3A_80 = %scan3A_75 to %scan3A_77 step %scan3A_78  : i32 {
          %mul3A_81 = arith.constant 2 : i32
          %mul3A_82 = arith.muli %mul3A_81, %scan3A_80 : i32
          %dma_wait3A = arith.constant 0 : i32
          %dma_wait3A_83 = arith.constant 0 : i32
          %dma_wait3A_84 = tpu.memref_slice %arg10[%dma_wait3A, %mul3A_82, %dma_wait3A_83] : memref<2x8x128xi32, #tpu.memory_space<vmem>> -> memref<1x1x128xi32, #tpu.memory_space<vmem>>
          %dma_wait3A_85 = tpu.memref_squeeze %dma_wait3A_84 : memref<1x1x128xi32, #tpu.memory_space<vmem>> -> memref<128xi32, #tpu.memory_space<vmem>>
          %dma_wait3A_86 = arith.constant 0 : i32
          %dma_wait3A_87 = arith.constant 0 : i32
          %dma_wait3A_88 = tpu.memref_slice %arg3[%dma_wait3A_86, %dma_wait3A_87] : memref<10000x128xf32, #tpu.memory_space<hbm>> -> memref<10000x128xf32, #tpu.memory_space<hbm>>
          tpu.wait_indirect_dma semaphore(%arg14 : memref<!tpu.dma_semaphore, #tpu.memory_space<semaphore_mem>>) src(%dma_wait3A_88 : memref<10000x128xf32, #tpu.memory_space<hbm>>) dst(%arg11 : memref<128x128xf32, #tpu.memory_space<vmem>>)
          %add3A_89 = arith.constant 1 : i32
          %add3A_90 = arith.addi %mul3A_82, %add3A_89 : i32
          %dma_start3A_91 = arith.constant 0 : i32
          %dma_start3A_92 = arith.constant 0 : i32
          %dma_start3A_93 = tpu.memref_slice %arg10[%dma_start3A_91, %add3A_90, %dma_start3A_92] : memref<2x8x128xi32, #tpu.memory_space<vmem>> -> memref<1x1x128xi32, #tpu.memory_space<vmem>>
          %dma_start3A_94 = tpu.memref_squeeze %dma_start3A_93 : memref<1x1x128xi32, #tpu.memory_space<vmem>> -> memref<128xi32, #tpu.memory_space<vmem>>
          %dma_start3A_95 = arith.constant 0 : i32
          %dma_start3A_96 = arith.constant 0 : i32
          %dma_start3A_97 = tpu.memref_slice %arg3[%dma_start3A_95, %dma_start3A_96] : memref<10000x128xf32, #tpu.memory_space<hbm>> -> memref<10000x128xf32, #tpu.memory_space<hbm>>
          tpu.enqueue_indirect_dma source(%dma_start3A_97 : memref<10000x128xf32, #tpu.memory_space<hbm>>) target(%arg12 : memref<128x128xf32, #tpu.memory_space<vmem>>) offsets(%dma_start3A_94 : memref<128xi32, #tpu.memory_space<vmem>>) semaphore(%arg15 : memref<!tpu.dma_semaphore, #tpu.memory_space<semaphore_mem>>)
          %run_scoped3A = arith.constant 1 : i32
          "tpu.region"() ({
            %run_scoped3A_115 = tpu.sem_alloc : memref<!tpu.dma_semaphore, #tpu.memory_space<semaphore_mem>>
            %dma_start3A_116 = arith.constant 0 : i32
            %dma_start3A_117 = tpu.memref_slice %arg10[%run_scoped3A, %mul3A_82, %dma_start3A_116] : memref<2x8x128xi32, #tpu.memory_space<vmem>> -> memref<1x1x128xi32, #tpu.memory_space<vmem>>
            %dma_start3A_118 = tpu.memref_squeeze %dma_start3A_117 : memref<1x1x128xi32, #tpu.memory_space<vmem>> -> memref<128xi32, #tpu.memory_space<vmem>>
            %dma_start3A_119 = arith.constant 0 : i32
            %dma_start3A_120 = arith.constant 0 : i32
            %dma_start3A_121 = tpu.memref_slice %arg13[%dma_start3A_119, %dma_start3A_120] : memref<10112x128xf32, #tpu.memory_space<vmem_shared>> -> memref<10112x128xf32, #tpu.memory_space<vmem_shared>>
            tpu.enqueue_indirect_dma source(%arg11 : memref<128x128xf32, #tpu.memory_space<vmem>>) target(%dma_start3A_121 : memref<10112x128xf32, #tpu.memory_space<vmem_shared>>) offsets(%dma_start3A_118 : memref<128xi32, #tpu.memory_space<vmem>>) semaphore(%run_scoped3A_115 : memref<!tpu.dma_semaphore, #tpu.memory_space<semaphore_mem>>) {add = true}
            %dma_wait3A_122 = arith.constant 0 : i32
            %dma_wait3A_123 = tpu.memref_slice %arg10[%run_scoped3A, %mul3A_82, %dma_wait3A_122] : memref<2x8x128xi32, #tpu.memory_space<vmem>> -> memref<1x1x128xi32, #tpu.memory_space<vmem>>
            %dma_wait3A_124 = tpu.memref_squeeze %dma_wait3A_123 : memref<1x1x128xi32, #tpu.memory_space<vmem>> -> memref<128xi32, #tpu.memory_space<vmem>>
            %dma_wait3A_125 = arith.constant 0 : i32
            %dma_wait3A_126 = arith.constant 0 : i32
            %dma_wait3A_127 = tpu.memref_slice %arg13[%dma_wait3A_125, %dma_wait3A_126] : memref<10112x128xf32, #tpu.memory_space<vmem_shared>> -> memref<10112x128xf32, #tpu.memory_space<vmem_shared>>
            tpu.wait_indirect_dma semaphore(%run_scoped3A_115 : memref<!tpu.dma_semaphore, #tpu.memory_space<semaphore_mem>>) src(%arg11 : memref<128x128xf32, #tpu.memory_space<vmem>>) dst(%dma_wait3A_127 : memref<10112x128xf32, #tpu.memory_space<vmem_shared>>)
            tpu.yield
          }) : () -> ()
          %add3A_98 = arith.constant 1 : i32
          %add3A_99 = arith.addi %mul3A_82, %add3A_98 : i32
          %dma_wait3A_100 = arith.constant 0 : i32
          %dma_wait3A_101 = arith.constant 0 : i32
          %dma_wait3A_102 = tpu.memref_slice %arg10[%dma_wait3A_100, %add3A_99, %dma_wait3A_101] : memref<2x8x128xi32, #tpu.memory_space<vmem>> -> memref<1x1x128xi32, #tpu.memory_space<vmem>>
          %dma_wait3A_103 = tpu.memref_squeeze %dma_wait3A_102 : memref<1x1x128xi32, #tpu.memory_space<vmem>> -> memref<128xi32, #tpu.memory_space<vmem>>
          %dma_wait3A_104 = arith.constant 0 : i32
          %dma_wait3A_105 = arith.constant 0 : i32
          %dma_wait3A_106 = tpu.memref_slice %arg3[%dma_wait3A_104, %dma_wait3A_105] : memref<10000x128xf32, #tpu.memory_space<hbm>> -> memref<10000x128xf32, #tpu.memory_space<hbm>>
          tpu.wait_indirect_dma semaphore(%arg15 : memref<!tpu.dma_semaphore, #tpu.memory_space<semaphore_mem>>) src(%dma_wait3A_106 : memref<10000x128xf32, #tpu.memory_space<hbm>>) dst(%arg12 : memref<128x128xf32, #tpu.memory_space<vmem>>)
          %lt3A_107 = arith.constant 3 : i32
          %lt3A_108 = arith.cmpi slt, %scan3A_80, %lt3A_107 : i32
          %convert_element_type3A_109 = arith.extui %lt3A_108 : i1 to i32
          %cond3A_110 = arith.constant 0 : i32
          %cond3A_111 = arith.cmpi ne, %convert_element_type3A_109, %cond3A_110 : i32
          scf.if %cond3A_111 {
            %add3A_115 = arith.constant 2 : i32
            %add3A_116 = arith.addi %mul3A_82, %add3A_115 : i32
            %dma_start3A_117 = arith.constant 0 : i32
            %dma_start3A_118 = arith.constant 0 : i32
            %dma_start3A_119 = tpu.memref_slice %arg10[%dma_start3A_117, %add3A_116, %dma_start3A_118] : memref<2x8x128xi32, #tpu.memory_space<vmem>> -> memref<1x1x128xi32, #tpu.memory_space<vmem>>
            %dma_start3A_120 = tpu.memref_squeeze %dma_start3A_119 : memref<1x1x128xi32, #tpu.memory_space<vmem>> -> memref<128xi32, #tpu.memory_space<vmem>>
            %dma_start3A_121 = arith.constant 0 : i32
            %dma_start3A_122 = arith.constant 0 : i32
            %dma_start3A_123 = tpu.memref_slice %arg3[%dma_start3A_121, %dma_start3A_122] : memref<10000x128xf32, #tpu.memory_space<hbm>> -> memref<10000x128xf32, #tpu.memory_space<hbm>>
            tpu.enqueue_indirect_dma source(%dma_start3A_123 : memref<10000x128xf32, #tpu.memory_space<hbm>>) target(%arg11 : memref<128x128xf32, #tpu.memory_space<vmem>>) offsets(%dma_start3A_120 : memref<128xi32, #tpu.memory_space<vmem>>) semaphore(%arg14 : memref<!tpu.dma_semaphore, #tpu.memory_space<semaphore_mem>>)
          } else {
          }
          %add3A_112 = arith.constant 1 : i32
          %add3A_113 = arith.addi %mul3A_82, %add3A_112 : i32
          %run_scoped3A_114 = arith.constant 1 : i32
          "tpu.region"() ({
            %run_scoped3A_115 = tpu.sem_alloc : memref<!tpu.dma_semaphore, #tpu.memory_space<semaphore_mem>>
            %dma_start3A_116 = arith.constant 0 : i32
            %dma_start3A_117 = tpu.memref_slice %arg10[%run_scoped3A_114, %add3A_113, %dma_start3A_116] : memref<2x8x128xi32, #tpu.memory_space<vmem>> -> memref<1x1x128xi32, #tpu.memory_space<vmem>>
            %dma_start3A_118 = tpu.memref_squeeze %dma_start3A_117 : memref<1x1x128xi32, #tpu.memory_space<vmem>> -> memref<128xi32, #tpu.memory_space<vmem>>
            %dma_start3A_119 = arith.constant 0 : i32
            %dma_start3A_120 = arith.constant 0 : i32
            %dma_start3A_121 = tpu.memref_slice %arg13[%dma_start3A_119, %dma_start3A_120] : memref<10112x128xf32, #tpu.memory_space<vmem_shared>> -> memref<10112x128xf32, #tpu.memory_space<vmem_shared>>
            tpu.enqueue_indirect_dma source(%arg12 : memref<128x128xf32, #tpu.memory_space<vmem>>) target(%dma_start3A_121 : memref<10112x128xf32, #tpu.memory_space<vmem_shared>>) offsets(%dma_start3A_118 : memref<128xi32, #tpu.memory_space<vmem>>) semaphore(%run_scoped3A_115 : memref<!tpu.dma_semaphore, #tpu.memory_space<semaphore_mem>>) {add = true}
            %dma_wait3A_122 = arith.constant 0 : i32
            %dma_wait3A_123 = tpu.memref_slice %arg10[%run_scoped3A_114, %add3A_113, %dma_wait3A_122] : memref<2x8x128xi32, #tpu.memory_space<vmem>> -> memref<1x1x128xi32, #tpu.memory_space<vmem>>
            %dma_wait3A_124 = tpu.memref_squeeze %dma_wait3A_123 : memref<1x1x128xi32, #tpu.memory_space<vmem>> -> memref<128xi32, #tpu.memory_space<vmem>>
            %dma_wait3A_125 = arith.constant 0 : i32
            %dma_wait3A_126 = arith.constant 0 : i32
            %dma_wait3A_127 = tpu.memref_slice %arg13[%dma_wait3A_125, %dma_wait3A_126] : memref<10112x128xf32, #tpu.memory_space<vmem_shared>> -> memref<10112x128xf32, #tpu.memory_space<vmem_shared>>
            tpu.wait_indirect_dma semaphore(%run_scoped3A_115 : memref<!tpu.dma_semaphore, #tpu.memory_space<semaphore_mem>>) src(%arg12 : memref<128x128xf32, #tpu.memory_space<vmem>>) dst(%dma_wait3A_127 : memref<10112x128xf32, #tpu.memory_space<vmem_shared>>)
            tpu.yield
          }) : () -> ()
        }
        %scan3A_79 = arith.constant 4 : i32
      } else {
      }
    }
    %scan3A_18 = arith.constant 18 : i32
    %barrier3A_19 = arith.constant 0 : index
    tpu.barrier barrier_id(%barrier3A_19)
    %eq3A_20 = arith.constant 0 : i32
    %eq3A_21 = arith.cmpi eq, %arg0, %eq3A_20 : i32
    %convert_element_type3A = arith.extui %eq3A_21 : i1 to i32
    %cond3A = arith.constant 0 : i32
    %cond3A_22 = arith.cmpi ne, %convert_element_type3A, %cond3A : i32
    scf.if %cond3A_22 {
      "tpu.region"() ({
        %run_scoped3A = tpu.sem_alloc : memref<!tpu.dma_semaphore, #tpu.memory_space<semaphore_mem>>
        %dma_start3A = arith.constant 0 : i32
        %dma_start3A_60 = tpu.memref_slice %arg6[%mul3A_2, %dma_start3A] : memref<10112x128xf32, #tpu.memory_space<hbm>> -> memref<632x128xf32, #tpu.memory_space<hbm>>
        %dma_start3A_61 = arith.constant 0 : i32
        %dma_start3A_62 = tpu.memref_slice %arg13[%mul3A_2, %dma_start3A_61] : memref<10112x128xf32, #tpu.memory_space<vmem_shared>> -> memref<632x128xf32, #tpu.memory_space<vmem_shared>>
        tpu.enqueue_dma source(%dma_start3A_62 : memref<632x128xf32, #tpu.memory_space<vmem_shared>>) target(%dma_start3A_60 : memref<632x128xf32, #tpu.memory_space<hbm>>) target_semaphore(%run_scoped3A : memref<!tpu.dma_semaphore, #tpu.memory_space<semaphore_mem>>)
        %dma_wait3A = arith.constant 0 : i32
        %dma_wait3A_63 = tpu.memref_slice %arg6[%mul3A_2, %dma_wait3A] : memref<10112x128xf32, #tpu.memory_space<hbm>> -> memref<632x128xf32, #tpu.memory_space<hbm>>
        %dma_wait3A_64 = arith.constant 0 : i32
        %dma_wait3A_65 = tpu.memref_slice %arg13[%mul3A_2, %dma_wait3A_64] : memref<10112x128xf32, #tpu.memory_space<vmem_shared>> -> memref<632x128xf32, #tpu.memory_space<vmem_shared>>
        tpu.wait_dma2 semaphore(%run_scoped3A : memref<!tpu.dma_semaphore, #tpu.memory_space<semaphore_mem>>) src(%dma_wait3A_65 : memref<632x128xf32, #tpu.memory_space<vmem_shared>>) dst(%dma_wait3A_63 : memref<632x128xf32, #tpu.memory_space<hbm>>)
        tpu.yield
      }) : () -> ()
    } else {
    }
    %eq3A_23 = arith.constant 1 : i32
    %eq3A_24 = arith.cmpi eq, %arg0, %eq3A_23 : i32
    %convert_element_type3A_25 = arith.extui %eq3A_24 : i1 to i32
    %cond3A_26 = arith.constant 0 : i32
    %cond3A_27 = arith.cmpi ne, %convert_element_type3A_25, %cond3A_26 : i32
    scf.if %cond3A_27 {
      "tpu.region"() ({
        %run_scoped3A = tpu.sem_alloc : memref<!tpu.dma_semaphore, #tpu.memory_space<semaphore_mem>>
        %dma_start3A = arith.constant 0 : i32
        %dma_start3A_60 = tpu.memref_slice %arg7[%mul3A_2, %dma_start3A] : memref<10112x128xf32, #tpu.memory_space<hbm>> -> memref<632x128xf32, #tpu.memory_space<hbm>>
        %dma_start3A_61 = arith.constant 0 : i32
        %dma_start3A_62 = tpu.memref_slice %arg13[%mul3A_2, %dma_start3A_61] : memref<10112x128xf32, #tpu.memory_space<vmem_shared>> -> memref<632x128xf32, #tpu.memory_space<vmem_shared>>
        tpu.enqueue_dma source(%dma_start3A_62 : memref<632x128xf32, #tpu.memory_space<vmem_shared>>) target(%dma_start3A_60 : memref<632x128xf32, #tpu.memory_space<hbm>>) target_semaphore(%run_scoped3A : memref<!tpu.dma_semaphore, #tpu.memory_space<semaphore_mem>>)
        %dma_wait3A = arith.constant 0 : i32
        %dma_wait3A_63 = tpu.memref_slice %arg7[%mul3A_2, %dma_wait3A] : memref<10112x128xf32, #tpu.memory_space<hbm>> -> memref<632x128xf32, #tpu.memory_space<hbm>>
        %dma_wait3A_64 = arith.constant 0 : i32
        %dma_wait3A_65 = tpu.memref_slice %arg13[%mul3A_2, %dma_wait3A_64] : memref<10112x128xf32, #tpu.memory_space<vmem_shared>> -> memref<632x128xf32, #tpu.memory_space<vmem_shared>>
        tpu.wait_dma2 semaphore(%run_scoped3A : memref<!tpu.dma_semaphore, #tpu.memory_space<semaphore_mem>>) src(%dma_wait3A_65 : memref<632x128xf32, #tpu.memory_space<vmem_shared>>) dst(%dma_wait3A_63 : memref<632x128xf32, #tpu.memory_space<hbm>>)
        tpu.yield
      }) : () -> ()
    } else {
    }
    "tpu.region"() ({
      %run_scoped3A = tpu.sem_alloc : memref<!tpu.dma_semaphore, #tpu.memory_space<semaphore_mem>>
      %dma_start3A = arith.constant 0 : i32
      %dma_start3A_60 = tpu.memref_slice %arg13[%mul3A_2, %dma_start3A] : memref<10112x128xf32, #tpu.memory_space<vmem_shared>> -> memref<632x128xf32, #tpu.memory_space<vmem_shared>>
      %dma_start3A_61 = arith.constant 0 : i32
      %dma_start3A_62 = tpu.memref_slice %arg4[%mul3A_2, %dma_start3A_61] : memref<10112x128xf32, #tpu.memory_space<hbm>> -> memref<632x128xf32, #tpu.memory_space<hbm>>
      tpu.enqueue_dma source(%dma_start3A_62 : memref<632x128xf32, #tpu.memory_space<hbm>>) target(%dma_start3A_60 : memref<632x128xf32, #tpu.memory_space<vmem_shared>>) target_semaphore(%run_scoped3A : memref<!tpu.dma_semaphore, #tpu.memory_space<semaphore_mem>>)
      %dma_wait3A = arith.constant 0 : i32
      %dma_wait3A_63 = tpu.memref_slice %arg13[%mul3A_2, %dma_wait3A] : memref<10112x128xf32, #tpu.memory_space<vmem_shared>> -> memref<632x128xf32, #tpu.memory_space<vmem_shared>>
      %dma_wait3A_64 = arith.constant 0 : i32
      %dma_wait3A_65 = tpu.memref_slice %arg4[%mul3A_2, %dma_wait3A_64] : memref<10112x128xf32, #tpu.memory_space<hbm>> -> memref<632x128xf32, #tpu.memory_space<hbm>>
      tpu.wait_dma2 semaphore(%run_scoped3A : memref<!tpu.dma_semaphore, #tpu.memory_space<semaphore_mem>>) src(%dma_wait3A_65 : memref<632x128xf32, #tpu.memory_space<hbm>>) dst(%dma_wait3A_63 : memref<632x128xf32, #tpu.memory_space<vmem_shared>>)
      tpu.yield
    }) : () -> ()
    "tpu.region"() ({
      %run_scoped3A = tpu.sem_alloc : memref<!tpu.dma_semaphore, #tpu.memory_space<semaphore_mem>>
      tpu.enqueue_dma source(%arg5 : memref<128x128xf32, #tpu.memory_space<hbm>>) target(%arg11 : memref<128x128xf32, #tpu.memory_space<vmem>>) target_semaphore(%run_scoped3A : memref<!tpu.dma_semaphore, #tpu.memory_space<semaphore_mem>>)
      tpu.wait_dma2 semaphore(%run_scoped3A : memref<!tpu.dma_semaphore, #tpu.memory_space<semaphore_mem>>) src(%arg5 : memref<128x128xf32, #tpu.memory_space<hbm>>) dst(%arg11 : memref<128x128xf32, #tpu.memory_space<vmem>>)
      tpu.yield
    }) : () -> ()
    %barrier3A_28 = arith.constant 0 : index
    tpu.barrier barrier_id(%barrier3A_28)
    %eq3A_29 = arith.constant 0 : i32
    %eq3A_30 = arith.cmpi eq, %arg0, %eq3A_29 : i32
    %mul3A_31 = arith.constant 14 : i32
    %mul3A_32 = arith.muli %arg1, %mul3A_31 : i32
    %mul3A_33 = arith.constant 6 : i32
    %mul3A_34 = arith.muli %arg1, %mul3A_33 : i32
    %add3A_35 = arith.constant 224 : i32
    %add3A_36 = arith.addi %add3A_35, %mul3A_34 : i32
    %select_n3A_37 = arith.select %eq3A_30, %mul3A_32, %add3A_36 : i32
    %eq3A_38 = arith.constant 0 : i32
    %eq3A_39 = arith.cmpi eq, %arg0, %eq3A_38 : i32
    %jit3A_40 = arith.constant 14 : i32
    %jit3A_41 = arith.constant 6 : i32
    %select_n3A_42 = arith.select %eq3A_39, %jit3A_40, %jit3A_41 : i32
    %scan3A_43 = arith.constant 0 : i32
    %scan3A_44 = arith.constant 0 : i32
    %scan3A_45 = arith.constant 14 : i32
    %scan3A_46 = arith.addi %scan3A_44, %scan3A_45 : i32
    %scan3A_47 = arith.constant 1 : i32
    scf.for %scan3A_60 = %scan3A_44 to %scan3A_46 step %scan3A_47  : i32 {
      %lt3A = arith.cmpi slt, %scan3A_60, %select_n3A_42 : i32
      %convert_element_type3A_61 = arith.extui %lt3A : i1 to i32
      %cond3A_62 = arith.constant 0 : i32
      %cond3A_63 = arith.cmpi ne, %convert_element_type3A_61, %cond3A_62 : i32
      scf.if %cond3A_63 {
        %add3A_64 = arith.addi %select_n3A_37, %scan3A_60 : i32
        %mul3A_65 = arith.constant 8 : i32
        %mul3A_66 = arith.muli %add3A_64, %mul3A_65 : i32
        "tpu.region"() ({
          %run_scoped3A = tpu.sem_alloc : memref<!tpu.dma_semaphore, #tpu.memory_space<semaphore_mem>>
          %dma_start3A = arith.constant 0 : i32
          %dma_start3A_73 = arith.constant 0 : i32
          %dma_start3A_74 = tpu.memref_slice %arg2[%dma_start3A, %mul3A_66, %dma_start3A_73] : memref<2x2560x128xi32, #tpu.memory_space<hbm>> -> memref<2x8x128xi32, #tpu.memory_space<hbm>>
          %dma_start3A_75 = arith.constant 0 : i32
          %dma_start3A_76 = arith.constant 0 : i32
          %dma_start3A_77 = tpu.memref_slice %arg2[%dma_start3A_75, %mul3A_66, %dma_start3A_76] : memref<2x2560x128xi32, #tpu.memory_space<hbm>> -> memref<2x8x128xi32, #tpu.memory_space<hbm>>
          tpu.enqueue_dma source(%dma_start3A_77 : memref<2x8x128xi32, #tpu.memory_space<hbm>>) target(%arg10 : memref<2x8x128xi32, #tpu.memory_space<vmem>>) target_semaphore(%run_scoped3A : memref<!tpu.dma_semaphore, #tpu.memory_space<semaphore_mem>>)
          %dma_wait3A = arith.constant 0 : i32
          %dma_wait3A_78 = arith.constant 0 : i32
          %dma_wait3A_79 = tpu.memref_slice %arg2[%dma_wait3A, %mul3A_66, %dma_wait3A_78] : memref<2x2560x128xi32, #tpu.memory_space<hbm>> -> memref<2x8x128xi32, #tpu.memory_space<hbm>>
          %dma_wait3A_80 = arith.constant 0 : i32
          %dma_wait3A_81 = arith.constant 0 : i32
          %dma_wait3A_82 = tpu.memref_slice %arg2[%dma_wait3A_80, %mul3A_66, %dma_wait3A_81] : memref<2x2560x128xi32, #tpu.memory_space<hbm>> -> memref<2x8x128xi32, #tpu.memory_space<hbm>>
          tpu.wait_dma2 semaphore(%run_scoped3A : memref<!tpu.dma_semaphore, #tpu.memory_space<semaphore_mem>>) src(%dma_wait3A_82 : memref<2x8x128xi32, #tpu.memory_space<hbm>>) dst(%arg10 : memref<2x8x128xi32, #tpu.memory_space<vmem>>)
          tpu.yield
        }) : () -> ()
        %scan3A_67 = arith.constant 0 : i32
        %scan3A_68 = arith.constant 0 : i32
        %scan3A_69 = arith.constant 4 : i32
        %scan3A_70 = arith.addi %scan3A_68, %scan3A_69 : i32
        %scan3A_71 = arith.constant 1 : i32
        scf.for %scan3A_73 = %scan3A_68 to %scan3A_70 step %scan3A_71  : i32 {
          %mul3A_74 = arith.constant 2 : i32
          %mul3A_75 = arith.muli %mul3A_74, %scan3A_73 : i32
          %dma_start3A = arith.constant 1 : i32
          %dma_start3A_76 = arith.constant 0 : i32
          %dma_start3A_77 = tpu.memref_slice %arg10[%dma_start3A, %mul3A_75, %dma_start3A_76] : memref<2x8x128xi32, #tpu.memory_space<vmem>> -> memref<1x1x128xi32, #tpu.memory_space<vmem>>
          %dma_start3A_78 = tpu.memref_squeeze %dma_start3A_77 : memref<1x1x128xi32, #tpu.memory_space<vmem>> -> memref<128xi32, #tpu.memory_space<vmem>>
          %dma_start3A_79 = arith.constant 0 : i32
          %dma_start3A_80 = arith.constant 0 : i32
          %dma_start3A_81 = tpu.memref_slice %arg13[%dma_start3A_79, %dma_start3A_80] : memref<10112x128xf32, #tpu.memory_space<vmem_shared>> -> memref<10112x128xf32, #tpu.memory_space<vmem_shared>>
          tpu.enqueue_indirect_dma source(%arg11 : memref<128x128xf32, #tpu.memory_space<vmem>>) target(%dma_start3A_81 : memref<10112x128xf32, #tpu.memory_space<vmem_shared>>) offsets(%dma_start3A_78 : memref<128xi32, #tpu.memory_space<vmem>>) semaphore(%arg14 : memref<!tpu.dma_semaphore, #tpu.memory_space<semaphore_mem>>) {add = true}
          %add3A_82 = arith.constant 1 : i32
          %add3A_83 = arith.addi %mul3A_75, %add3A_82 : i32
          %dma_start3A_84 = arith.constant 1 : i32
          %dma_start3A_85 = arith.constant 0 : i32
          %dma_start3A_86 = tpu.memref_slice %arg10[%dma_start3A_84, %add3A_83, %dma_start3A_85] : memref<2x8x128xi32, #tpu.memory_space<vmem>> -> memref<1x1x128xi32, #tpu.memory_space<vmem>>
          %dma_start3A_87 = tpu.memref_squeeze %dma_start3A_86 : memref<1x1x128xi32, #tpu.memory_space<vmem>> -> memref<128xi32, #tpu.memory_space<vmem>>
          %dma_start3A_88 = arith.constant 0 : i32
          %dma_start3A_89 = arith.constant 0 : i32
          %dma_start3A_90 = tpu.memref_slice %arg13[%dma_start3A_88, %dma_start3A_89] : memref<10112x128xf32, #tpu.memory_space<vmem_shared>> -> memref<10112x128xf32, #tpu.memory_space<vmem_shared>>
          tpu.enqueue_indirect_dma source(%arg11 : memref<128x128xf32, #tpu.memory_space<vmem>>) target(%dma_start3A_90 : memref<10112x128xf32, #tpu.memory_space<vmem_shared>>) offsets(%dma_start3A_87 : memref<128xi32, #tpu.memory_space<vmem>>) semaphore(%arg15 : memref<!tpu.dma_semaphore, #tpu.memory_space<semaphore_mem>>) {add = true}
          %dma_wait3A = arith.constant 1 : i32
          %dma_wait3A_91 = arith.constant 0 : i32
          %dma_wait3A_92 = tpu.memref_slice %arg10[%dma_wait3A, %mul3A_75, %dma_wait3A_91] : memref<2x8x128xi32, #tpu.memory_space<vmem>> -> memref<1x1x128xi32, #tpu.memory_space<vmem>>
          %dma_wait3A_93 = tpu.memref_squeeze %dma_wait3A_92 : memref<1x1x128xi32, #tpu.memory_space<vmem>> -> memref<128xi32, #tpu.memory_space<vmem>>
          %dma_wait3A_94 = arith.constant 0 : i32
          %dma_wait3A_95 = arith.constant 0 : i32
          %dma_wait3A_96 = tpu.memref_slice %arg13[%dma_wait3A_94, %dma_wait3A_95] : memref<10112x128xf32, #tpu.memory_space<vmem_shared>> -> memref<10112x128xf32, #tpu.memory_space<vmem_shared>>
          tpu.wait_indirect_dma semaphore(%arg14 : memref<!tpu.dma_semaphore, #tpu.memory_space<semaphore_mem>>) src(%arg11 : memref<128x128xf32, #tpu.memory_space<vmem>>) dst(%dma_wait3A_96 : memref<10112x128xf32, #tpu.memory_space<vmem_shared>>)
          %dma_wait3A_97 = arith.constant 1 : i32
          %dma_wait3A_98 = arith.constant 0 : i32
          %dma_wait3A_99 = tpu.memref_slice %arg10[%dma_wait3A_97, %add3A_83, %dma_wait3A_98] : memref<2x8x128xi32, #tpu.memory_space<vmem>> -> memref<1x1x128xi32, #tpu.memory_space<vmem>>
          %dma_wait3A_100 = tpu.memref_squeeze %dma_wait3A_99 : memref<1x1x128xi32, #tpu.memory_space<vmem>> -> memref<128xi32, #tpu.memory_space<vmem>>
          %dma_wait3A_101 = arith.constant 0 : i32
          %dma_wait3A_102 = arith.constant 0 : i32
          %dma_wait3A_103 = tpu.memref_slice %arg13[%dma_wait3A_101, %dma_wait3A_102] : memref<10112x128xf32, #tpu.memory_space<vmem_shared>> -> memref<10112x128xf32, #tpu.memory_space<vmem_shared>>
          tpu.wait_indirect_dma semaphore(%arg15 : memref<!tpu.dma_semaphore, #tpu.memory_space<semaphore_mem>>) src(%arg11 : memref<128x128xf32, #tpu.memory_space<vmem>>) dst(%dma_wait3A_103 : memref<10112x128xf32, #tpu.memory_space<vmem_shared>>)
        }
        %scan3A_72 = arith.constant 4 : i32
      } else {
      }
    }
    %scan3A_48 = arith.constant 14 : i32
    %barrier3A_49 = arith.constant 0 : index
    tpu.barrier barrier_id(%barrier3A_49)
    %eq3A_50 = arith.constant 0 : i32
    %eq3A_51 = arith.cmpi eq, %arg0, %eq3A_50 : i32
    %convert_element_type3A_52 = arith.extui %eq3A_51 : i1 to i32
    %cond3A_53 = arith.constant 0 : i32
    %cond3A_54 = arith.cmpi ne, %convert_element_type3A_52, %cond3A_53 : i32
    scf.if %cond3A_54 {
      "tpu.region"() ({
        %run_scoped3A = tpu.sem_alloc : memref<!tpu.dma_semaphore, #tpu.memory_space<semaphore_mem>>
        %dma_start3A = arith.constant 0 : i32
        %dma_start3A_60 = tpu.memref_slice %arg8[%mul3A_2, %dma_start3A] : memref<10112x128xf32, #tpu.memory_space<hbm>> -> memref<632x128xf32, #tpu.memory_space<hbm>>
        %dma_start3A_61 = arith.constant 0 : i32
        %dma_start3A_62 = tpu.memref_slice %arg13[%mul3A_2, %dma_start3A_61] : memref<10112x128xf32, #tpu.memory_space<vmem_shared>> -> memref<632x128xf32, #tpu.memory_space<vmem_shared>>
        tpu.enqueue_dma source(%dma_start3A_62 : memref<632x128xf32, #tpu.memory_space<vmem_shared>>) target(%dma_start3A_60 : memref<632x128xf32, #tpu.memory_space<hbm>>) target_semaphore(%run_scoped3A : memref<!tpu.dma_semaphore, #tpu.memory_space<semaphore_mem>>)
        %dma_wait3A = arith.constant 0 : i32
        %dma_wait3A_63 = tpu.memref_slice %arg8[%mul3A_2, %dma_wait3A] : memref<10112x128xf32, #tpu.memory_space<hbm>> -> memref<632x128xf32, #tpu.memory_space<hbm>>
        %dma_wait3A_64 = arith.constant 0 : i32
        %dma_wait3A_65 = tpu.memref_slice %arg13[%mul3A_2, %dma_wait3A_64] : memref<10112x128xf32, #tpu.memory_space<vmem_shared>> -> memref<632x128xf32, #tpu.memory_space<vmem_shared>>
        tpu.wait_dma2 semaphore(%run_scoped3A : memref<!tpu.dma_semaphore, #tpu.memory_space<semaphore_mem>>) src(%dma_wait3A_65 : memref<632x128xf32, #tpu.memory_space<vmem_shared>>) dst(%dma_wait3A_63 : memref<632x128xf32, #tpu.memory_space<hbm>>)
        tpu.yield
      }) : () -> ()
    } else {
    }
    %eq3A_55 = arith.constant 1 : i32
    %eq3A_56 = arith.cmpi eq, %arg0, %eq3A_55 : i32
    %convert_element_type3A_57 = arith.extui %eq3A_56 : i1 to i32
    %cond3A_58 = arith.constant 0 : i32
    %cond3A_59 = arith.cmpi ne, %convert_element_type3A_57, %cond3A_58 : i32
    scf.if %cond3A_59 {
      "tpu.region"() ({
        %run_scoped3A = tpu.sem_alloc : memref<!tpu.dma_semaphore, #tpu.memory_space<semaphore_mem>>
        %dma_start3A = arith.constant 0 : i32
        %dma_start3A_60 = tpu.memref_slice %arg9[%mul3A_2, %dma_start3A] : memref<10112x128xf32, #tpu.memory_space<hbm>> -> memref<632x128xf32, #tpu.memory_space<hbm>>
        %dma_start3A_61 = arith.constant 0 : i32
        %dma_start3A_62 = tpu.memref_slice %arg13[%mul3A_2, %dma_start3A_61] : memref<10112x128xf32, #tpu.memory_space<vmem_shared>> -> memref<632x128xf32, #tpu.memory_space<vmem_shared>>
        tpu.enqueue_dma source(%dma_start3A_62 : memref<632x128xf32, #tpu.memory_space<vmem_shared>>) target(%dma_start3A_60 : memref<632x128xf32, #tpu.memory_space<hbm>>) target_semaphore(%run_scoped3A : memref<!tpu.dma_semaphore, #tpu.memory_space<semaphore_mem>>)
        %dma_wait3A = arith.constant 0 : i32
        %dma_wait3A_63 = tpu.memref_slice %arg9[%mul3A_2, %dma_wait3A] : memref<10112x128xf32, #tpu.memory_space<hbm>> -> memref<632x128xf32, #tpu.memory_space<hbm>>
        %dma_wait3A_64 = arith.constant 0 : i32
        %dma_wait3A_65 = tpu.memref_slice %arg13[%mul3A_2, %dma_wait3A_64] : memref<10112x128xf32, #tpu.memory_space<vmem_shared>> -> memref<632x128xf32, #tpu.memory_space<vmem_shared>>
        tpu.wait_dma2 semaphore(%run_scoped3A : memref<!tpu.dma_semaphore, #tpu.memory_space<semaphore_mem>>) src(%dma_wait3A_65 : memref<632x128xf32, #tpu.memory_space<vmem_shared>>) dst(%dma_wait3A_63 : memref<632x128xf32, #tpu.memory_space<hbm>>)
        tpu.yield
      }) : () -> ()
    } else {
    }
    return
  }
}

module attributes {stable_mosaic.version = 14 : i64} {
  func.func @_tc_mean(%arg0: i32, %arg1: memref<1264x128xf32, #tpu.memory_space<vmem>>, %arg2: memref<1264x128xf32, #tpu.memory_space<vmem>>, %arg3: memref<1264x128xf32, #tpu.memory_space<vmem>>, %arg4: memref<1264x128xf32, #tpu.memory_space<vmem>>, %arg5: memref<1264x128xf32, #tpu.memory_space<vmem>>) attributes {dimension_semantics = [#tpu.dimension_semantics<arbitrary>], iteration_bounds = array<i64: 8>, scalar_prefetch = 0 : i64, scratch_operands = 0 : i64, tpu.core_type = #tpu.core_type<tc>, window_params = [{transform_indices = @transform_0, window_bounds = array<i64: 1264, 128>}, {transform_indices = @transform_1, window_bounds = array<i64: 1264, 128>}, {transform_indices = @transform_2, window_bounds = array<i64: 1264, 128>}, {transform_indices = @transform_3, window_bounds = array<i64: 1264, 128>}, {transform_indices = @transform_4, window_bounds = array<i64: 1264, 128>}]} {
    %get3A = arith.constant 0 : index
    %get3A_0 = arith.constant 0 : index
    %get3A_1 = vector.load %arg3[%get3A, %get3A_0] : memref<1264x128xf32, #tpu.memory_space<vmem>>, vector<1264x1xf32>
    %get3A_2 = arith.constant 0 : index
    %get3A_3 = arith.constant 0 : index
    %get3A_4 = vector.load %arg4[%get3A_2, %get3A_3] : memref<1264x128xf32, #tpu.memory_space<vmem>>, vector<1264x1xf32>
    %add3A = arith.addf %get3A_1, %get3A_4 : vector<1264x1xf32>
    %max3A = arith.constant 1.000000e+00 : f32
    %max3A_5 = vector.broadcast %max3A : f32 to vector<1264x1xf32>
    %max3A_6 = arith.maximumf %add3A, %max3A_5 : vector<1264x1xf32>
    %div3A = arith.constant 1.000000e+00 : f32
    %div3A_7 = vector.broadcast %div3A : f32 to vector<1264x1xf32>
    %div3A_8 = arith.divf %div3A_7, %max3A_6 : vector<1264x1xf32>
    %get3A_9 = arith.constant 0 : index
    %get3A_10 = arith.constant 0 : index
    %get3A_11 = vector.load %arg1[%get3A_9, %get3A_10] : memref<1264x128xf32, #tpu.memory_space<vmem>>, vector<1264x128xf32>
    %get3A_12 = arith.constant 0 : index
    %get3A_13 = arith.constant 0 : index
    %get3A_14 = vector.load %arg2[%get3A_12, %get3A_13] : memref<1264x128xf32, #tpu.memory_space<vmem>>, vector<1264x128xf32>
    %add3A_15 = arith.addf %get3A_11, %get3A_14 : vector<1264x128xf32>
    %mul3A = vector.broadcast %div3A_8 : vector<1264x1xf32> to vector<1264x128xf32>
    %mul3A_16 = arith.mulf %add3A_15, %mul3A : vector<1264x128xf32>
    %swap3A = arith.constant 0 : index
    %swap3A_17 = arith.constant 0 : index
    %swap3A_18 = vector.load %arg5[%swap3A, %swap3A_17] : memref<1264x128xf32, #tpu.memory_space<vmem>>, vector<1264x128xf32>
    tpu.vector_store %arg5[%swap3A, %swap3A_17], %mul3A_16 {strides = array<i32>} : memref<1264x128xf32, #tpu.memory_space<vmem>>, vector<1264x128xf32>,
    return
  }
  func.func @transform_0(%arg0: i32) -> (i32, i32) {
    %c0_i32 = arith.constant 0 : i32
    %c0_i32_0 = arith.constant 0 : i32
    return %arg0, %c0_i32 : i32, i32
  }
  func.func @transform_1(%arg0: i32) -> (i32, i32) {
    %c0_i32 = arith.constant 0 : i32
    %c0_i32_0 = arith.constant 0 : i32
    return %arg0, %c0_i32 : i32, i32
  }
  func.func @transform_2(%arg0: i32) -> (i32, i32) {
    %c0_i32 = arith.constant 0 : i32
    %c0_i32_0 = arith.constant 0 : i32
    return %arg0, %c0_i32 : i32, i32
  }
  func.func @transform_3(%arg0: i32) -> (i32, i32) {
    %c0_i32 = arith.constant 0 : i32
    %c0_i32_0 = arith.constant 0 : i32
    return %arg0, %c0_i32 : i32, i32
  }
  func.func @transform_4(%arg0: i32) -> (i32, i32) {
    %c0_i32 = arith.constant 0 : i32
    %c0_i32_0 = arith.constant 0 : i32
    return %arg0, %c0_i32 : i32, i32
  }
}

module attributes {stable_mosaic.version = 14 : i64} {
  func.func @_tc_mlp(%arg0: i32, %arg1: memref<1024x128xf32, #tpu.memory_space<vmem>>, %arg2: memref<1024x128xf32, #tpu.memory_space<vmem>>, %arg3: memref<256x128xf32, #tpu.memory_space<vmem>>, %arg4: memref<1x128xf32, #tpu.memory_space<vmem>>, %arg5: memref<1024x128xf32, #tpu.memory_space<vmem>>) attributes {dimension_semantics = [#tpu.dimension_semantics<arbitrary>], iteration_bounds = array<i64: 10>, scalar_prefetch = 0 : i64, scratch_operands = 0 : i64, tpu.core_type = #tpu.core_type<tc>, window_params = [{transform_indices = @transform_0, window_bounds = array<i64: 1024, 128>}, {transform_indices = @transform_1, window_bounds = array<i64: 1024, 128>}, {pipeline_mode = #tpu.pipeline_mode<synchronous>, transform_indices = @transform_2, window_bounds = array<i64: 256, 128>}, {pipeline_mode = #tpu.pipeline_mode<synchronous>, transform_indices = @transform_3, window_bounds = array<i64: 1, 128>}, {transform_indices = @transform_4, window_bounds = array<i64: 1024, 128>}]} {
    %get3A = arith.constant 0 : index
    %get3A_0 = arith.constant 0 : index
    %get3A_1 = vector.load %arg1[%get3A, %get3A_0] : memref<1024x128xf32, #tpu.memory_space<vmem>>, vector<1024x128xf32>
    %get3A_2 = arith.constant 0 : index
    %get3A_3 = arith.constant 0 : index
    %get3A_4 = vector.load %arg3[%get3A_2, %get3A_3] : memref<256x128xf32, #tpu.memory_space<vmem>>, vector<128x128xf32>
    %dot_general3A = arith.constant dense<0.000000e+00> : vector<1024x128xf32>
    %dot_general3A_5 = tpu.matmul %get3A_1, %get3A_4, %dot_general3A {dimension_numbers = #tpu.dot_dimension_numbers<[1], [0], [0], [1], [0, 0, 1, 1], [], []>, transpose_lhs_hint = false} : vector<1024x128xf32>, vector<128x128xf32>, vector<1024x128xf32> -> vector<1024x128xf32>
    %get3A_6 = arith.constant 0 : index
    %get3A_7 = arith.constant 0 : index
    %get3A_8 = vector.load %arg2[%get3A_6, %get3A_7] : memref<1024x128xf32, #tpu.memory_space<vmem>>, vector<1024x128xf32>
    %get3A_9 = arith.constant 128 : index
    %get3A_10 = arith.constant 0 : index
    %get3A_11 = vector.load %arg3[%get3A_9, %get3A_10] : memref<256x128xf32, #tpu.memory_space<vmem>>, vector<128x128xf32>
    %dot_general3A_12 = arith.constant dense<0.000000e+00> : vector<1024x128xf32>
    %dot_general3A_13 = tpu.matmul %get3A_8, %get3A_11, %dot_general3A_12 {dimension_numbers = #tpu.dot_dimension_numbers<[1], [0], [0], [1], [0, 0, 1, 1], [], []>, transpose_lhs_hint = false} : vector<1024x128xf32>, vector<128x128xf32>, vector<1024x128xf32> -> vector<1024x128xf32>
    %add3A = arith.addf %dot_general3A_5, %dot_general3A_13 : vector<1024x128xf32>
    %get3A_14 = arith.constant 0 : index
    %get3A_15 = arith.constant 0 : index
    %get3A_16 = vector.load %arg4[%get3A_14, %get3A_15] : memref<1x128xf32, #tpu.memory_space<vmem>>, vector<1x128xf32>
    %add3A_17 = vector.broadcast %get3A_16 : vector<1x128xf32> to vector<1024x128xf32>
    %add3A_18 = arith.addf %add3A, %add3A_17 : vector<1024x128xf32>
    %max3A = arith.constant 0.000000e+00 : f32
    %max3A_19 = vector.broadcast %max3A : f32 to vector<1024x128xf32>
    %max3A_20 = arith.maximumf %add3A_18, %max3A_19 : vector<1024x128xf32>
    %swap3A = arith.constant 0 : index
    %swap3A_21 = arith.constant 0 : index
    %swap3A_22 = vector.load %arg5[%swap3A, %swap3A_21] : memref<1024x128xf32, #tpu.memory_space<vmem>>, vector<1024x128xf32>
    tpu.vector_store %arg5[%swap3A, %swap3A_21], %max3A_20 {strides = array<i32>} : memref<1024x128xf32, #tpu.memory_space<vmem>>, vector<1024x128xf32>,
    return
  }
  func.func @transform_0(%arg0: i32) -> (i32, i32) {
    %c0_i32 = arith.constant 0 : i32
    %c0_i32_0 = arith.constant 0 : i32
    return %arg0, %c0_i32 : i32, i32
  }
  func.func @transform_1(%arg0: i32) -> (i32, i32) {
    %c0_i32 = arith.constant 0 : i32
    %c0_i32_0 = arith.constant 0 : i32
    return %arg0, %c0_i32 : i32, i32
  }
  func.func @transform_2(%arg0: i32) -> (i32, i32) {
    %c0_i32 = arith.constant 0 : i32
    %c0_i32_0 = arith.constant 0 : i32
    %c0_i32_1 = arith.constant 0 : i32
    return %c0_i32, %c0_i32_0 : i32, i32
  }
  func.func @transform_3(%arg0: i32) -> (i32, i32) {
    %c0_i32 = arith.constant 0 : i32
    %c0_i32_0 = arith.constant 0 : i32
    %c0_i32_1 = arith.constant 0 : i32
    return %c0_i32, %c0_i32_0 : i32, i32
  }
  func.func @transform_4(%arg0: i32) -> (i32, i32) {
    %c0_i32 = arith.constant 0 : i32
    %c0_i32_0 = arith.constant 0 : i32
    return %arg0, %c0_i32 : i32, i32
  }
}

</mosaic_0001>

<sc_bundles>
// kernel: kernel.6.cloned.1.call-start
scs
__scs_entry_jumppad:
0x0: {  	(pc) =	sbr.rel $0x88, $3  }
0x1: {  	(tag) =	ssettag $0x0;
	lr =	simm.s32 $0x1  }
0x2: {  	[smem:$0x3F9C] =	sst lr;
	_ =	strace $0xD0000000  }
0x3: {  	_ = 	snop  }
0x4: {  	_ = 	snop  }
0x5: {  	_ = 	snop  }
0x6: {  	_ = 	snop  }
0x7: {  	_ = 	snop  }
__scs_overlays_trampoline_lowered:
0x8: {  	[smem:$0x3FAB] =	sst s0  }
0x9: {  	[smem:$0x3FAC] =	sst s1  }
0xa: {  	[smem:$0x3FAD] =	sst s2  }
0xb: {  	[smem:$0x3FAE] =	sst s3  }
0xc: {  	[smem:$0x3FAF] =	sst s4  }
0xd: {  	[smem:$0x3FB0] =	sst s5  }
0xe: {  	[smem:$0x3FB1] =	sst s6  }
0xf: {  	[smem:$0x3FB2] =	sst s7  }
0x10: {  	[smem:$0x3FB3] =	sst s8  }
0x11: {  	[smem:$0x3FB4] =	sst s9;
	s0 =	simm.s32 @!p0 $0x0  }
0x12: {  	s1 =	sld [smem:$0x3F9A];
	s0 =	simm.s32 @p0 $0x1  }
0x13: {  	[smem:$0x3FB5] =	sst s0;
	s0 =	simm.s32 @!p1 $0x0  }
0x14: {  	s2 =	sld [smem:$0x3F99];
	s0 =	simm.s32 @p1 $0x1  }
0x15: {  	[smem:$0x3FB6] =	sst s0;
	s0 =	simm.s32 @!p2 $0x0  }
0x16: {  	s3 =	sld [smem:$0x3FDB];
	s0 =	simm.s32 @p2 $0x1  }
0x17: {  	s4 =	simm.s32 $0x1BF5;
	[smem:$0x3FB8] =	sst s0  }
0x18: {  	s0 =	sld [smem:$0x3F9B];
	_ =	swait.ge [sflag:s4], $0x0  }
0x19: {  	s7 =	sld [smem:$0x3F9C]  }
0x1a: {  	s8 =	sadd.s32 $0xFFFFE003, lr  }
0x1b: {  	s9 =	sadd.s32 $0xFFFFFEF7, lr;
	s5 =	simm.s32 $0xFFFFFFFF;
	p2 =	slt.u32 s8, $0xFFFFF086  }
0x1c: {  	p1 =	slt.u32 s9, $0xF7A;
	s5 =	simm.s32 @!p2 $0x0  }
0x1d: {  	s5 =	simm.s32 @p1 $0x1;
	p0 =	seq.s32 s7, s2  }
0x1e: {  	s7 =	smul.u32 @!p0 $0xF7A, s2;
	p2 =	seq.s32 @!p0 s5, $0x0  }
0x1f: {  	s9 =	smul.u32 $0xF7A, s1;
	s8 =	simm.s32 @!p0 $0x1BF5;
	p2 =	por !p2, p0  }
0x20: {  	[sflag:s8] =	ssyncset.s32 @!p0 $0xFFFFF086;
	s6 =	sadd.s32 @!p0 s3, s7;
	s7 =	simm.s32 @!p0 $0x108  }
0x21: {  	s3 =	sadd.s32 s3, s9;
	s6 =	sadd.s32 @!p0 $0x88, s6;
	s7 =	simm.s32 @p2 $0x1082  }
0x22: {  	[simem:s7], [sflag:s8] =	dma.local @!p0 [hbm:s6], $0xF7A  }
0x23: {  	s9 =	sor.u32 $0xD0000000, s2;
	s6 =	simm.s32 $0x108;
	_ =	swait.ge @!p0 [sflag:s8], $0x0  }
0x24: {  	s3 =	sadd.s32 $0x88, s3;
	s6 =	simm.s32 @!p1 $0x1082;
	[sflag:s4] =	ssyncset.s32 $0xFFFFF086  }
0x25: {  	[simem:s6], [sflag:s4] =	dma.local [hbm:s3], $0xF7A  }
0x26: {  	[smem:$0x3F9C] =	sst s1;
	(tag) =	ssettag s2;
	_ =	strace s9  }
0x27: {  	s1 =	sld [smem:$0x3FAC]  }
0x28: {  	s2 =	sld [smem:$0x3FAD]  }
0x29: {  	s4 =	sld [smem:$0x3FAF]  }
0x2a: {  	p0 =	seq.s32 s5, $0x0;
	s5 =	sld [smem:$0x3FB0]  }
0x2b: {  	s6 =	sld [smem:$0x3FB1]  }
0x2c: {  	s7 =	sld [smem:$0x3FB2]  }
0x2d: {  	s3 =	simm.s32 $0x108;
	s8 =	sld [smem:$0x3FB3]  }
0x2e: {  	s3 =	simm.s32 @!p0 $0x1082;
	s9 =	sld [smem:$0x3FB4]  }
0x2f: {  	lr =	sadd.s32 s0, s3;
	s0 =	sld [smem:$0x3FAB]  }
0x30: {  	s3 =	sld [smem:$0x3FAE]  }
0x31: {  	[smem:$0x3FB7] =	sst s10  }
0x32: {  	s10 =	sld [smem:$0x3FB5];
	_ =	sdelay $0x3  }
0x33: {  	p0 =	seq.s32 s10, $0x1;
	s10 =	sld [smem:$0x3FB7];
	_ =	sdelay $0x3  }
0x34: {  	[smem:$0x3FB7] =	sst s10  }
0x35: {  	s10 =	sld [smem:$0x3FB6];
	_ =	sdelay $0x3  }
0x36: {  	p1 =	seq.s32 s10, $0x1;
	s10 =	sld [smem:$0x3FB7];
	_ =	sdelay $0x3  }
0x37: {  	[smem:$0x3FB7] =	sst s10  }
0x38: {  	s10 =	sld [smem:$0x3FB8]  }
0x39: {  	_ = 	snop;
	(pc) =	sbr.ind lr, $3  }
0x3a: {  	_ = 	snop  }
0x3b: {  	_ = 	snop  }
0x3c: {  	p2 =	seq.s32 s10, $0x1;
	s10 =	sld [smem:$0x3FB7]  }
0x3d: {  	_ =	shalt  }
0x3e: {  	_ =	shalt  }
0x3f: {  	_ =	shalt  }
0x40: {  	_ =	shalt  }
0x41: {  	_ =	shalt  }
0x42: {  	_ =	shalt  }
0x43: {  	_ =	shalt  }
0x44: {  	_ =	shalt  }
0x45: {  	_ =	shalt  }
0x46: {  	_ =	shalt  }
0x47: {  	_ =	shalt  }
0x48: {  	_ =	shalt  }
0x49: {  	_ =	shalt  }
0x4a: {  	_ =	shalt  }
0x4b: {  	_ =	shalt  }
0x4c: {  	_ =	shalt  }
0x4d: {  	_ =	shalt  }
0x4e: {  	_ =	shalt  }
0x4f: {  	_ =	shalt  }
0x50: {  	_ =	shalt  }
0x51: {  	_ =	shalt  }
0x52: {  	_ =	shalt  }
0x53: {  	_ =	shalt  }
0x54: {  	_ =	shalt  }
0x55: {  	_ =	shalt  }
0x56: {  	_ =	shalt  }
0x57: {  	_ =	shalt  }
0x58: {  	_ =	shalt  }
0x59: {  	_ =	shalt  }
0x5a: {  	_ =	shalt  }
0x5b: {  	_ =	shalt  }
0x5c: {  	_ =	shalt  }
0x5d: {  	_ =	shalt  }
0x5e: {  	_ =	shalt  }
0x5f: {  	_ =	shalt  }
0x60: {  	_ =	shalt  }
0x61: {  	_ =	shalt  }
0x62: {  	_ =	shalt  }
0x63: {  	_ =	shalt  }
0x64: {  	_ =	shalt  }
0x65: {  	_ =	shalt  }
0x66: {  	_ =	shalt  }
0x67: {  	_ =	shalt  }
0x68: {  	_ =	shalt  }
0x69: {  	_ =	shalt  }
0x6a: {  	_ =	shalt  }
0x6b: {  	_ =	shalt  }
0x6c: {  	_ =	shalt  }
0x6d: {  	_ =	shalt  }
0x6e: {  	_ =	shalt  }
0x6f: {  	_ =	shalt  }
0x70: {  	_ =	shalt  }
0x71: {  	_ =	shalt  }
0x72: {  	_ =	shalt  }
0x73: {  	_ =	shalt  }
0x74: {  	_ =	shalt  }
0x75: {  	_ =	shalt  }
0x76: {  	_ =	shalt  }
0x77: {  	_ =	shalt  }
0x78: {  	_ =	shalt  }
0x79: {  	_ =	shalt  }
0x7a: {  	_ =	shalt  }
0x7b: {  	_ =	shalt  }
0x7c: {  	_ =	shalt  }
0x7d: {  	_ =	shalt  }
0x7e: {  	_ =	shalt  }
0x7f: {  	_ =	shalt  }
0x80: {  	_ =	shalt  }
0x81: {  	_ =	shalt  }
0x82: {  	_ =	shalt  }
0x83: {  	_ =	shalt  }
0x84: {  	_ =	shalt  }
0x85: {  	_ =	shalt  }
0x86: {  	_ =	shalt  }
0x87: {  	_ =	shalt  }
.Lfunc_end0:
.L_simem_size_0:
called_computation_lowered:
.L_overlay_start_0:
0x88: {  	s2 =	sld [smem:$0x3FD9]  }
0x89: {  	s3 =	sld [smem:$0x3FFE];
	_ =	sdelay $0x1  }
0x8a: {  	s1 =	srdreg.scid  }
0x8b: {  	s0 =	sand.u32 $0x1, s1  }
0x8c: {  	s17 =	sshll.u32 s0, $0xA;
	s2 =	sadd.s32 s3, s2  }
0x8d: {  	s2 =	sadd.s32 s2, s17  }
0x8e: {  	[smem:$0x3FC3] =	sst s2  }
0x8f: {  	_ = 	snop  }
0x90: {  	s2 =	sld [smem:$0x3FC7]  }
0x91: {  	s18 =	sld [smem:$0x3FD0];
	(tm) =	ssettm $0x1  }
0x92: {  	s4 =	sld [smem:$0x3FFB];
	_ =	sdelay $0x3  }
0x93: {  	_ =	strace s4  }
0x94: {  	s4 =	sld [smem:$0x3FFC];
	_ =	sdelay $0x3  }
0x95: {  	_ =	strace s4  }
0x96: {  	s4 =	sld [smem:$0x3FFD];
	_ =	sdelay $0x3  }
0x97: {  	_ =	strace s4  }
0x98: {  	_ =	strace $0x8FFFFFFF  }
0x99: {  	s19 =	sld [smem:$0x3FDB];
	_ =	sdelay $0x1  }
0x9a: {  	s5 =	simm.s32 $_scs_section_size  }
0x9b: {  	s6 =	simm.s32 $_size__tile_overlayer_lowered;
	s7 =	simm.s32 $_tile_overlayer_lowered  }
0x9c: {  	s22 =	simm.s32 $0x1BFF;
	s21 =	sshll.u32 s7, $0x1;
	s4 =	sadd.s32 s5, s19  }
0x9d: {  	s8 =	simm.s32 $0x0;
	s20 =	sshll.u32 s6, $0x1;
	s6 =	sadd.s32 s21, s4  }
0x9e: {  	[timem:s8], [sflag:s22] =	dma.local [hbm:s6], s20  }
0x9f: {  	_ =	swait.ge [sflag:s22], s20  }
0xa0: {  	s5 =	ssub.s32 $0x0, s20;
	[sflag:s22] =	ssyncset.done $0x0  }
0xa1: {  	[sflag:s22] =	ssyncadd.s32 s5;
	_ =	sdelay $0x1  }
0xa2: {  	s23 =	simm.s32 $0x1B8B  }
0xa3: {  	_ =	swait.ge [sflag:s23], $0x1  }
0xa4: {  	[sflag:s23] =	ssyncset.done $0x0  }
0xa5: {  	s25 =	simm.s32 $0x1B8E;
	s24 =	sld [smem:$0x3FFE];
	[sflag:s23] =	ssyncadd.s32 $0xFFFFFFFF  }
0xa6: {  	s26 =	simm.s32 $execute0_lowered;
	[smem:$0x3FD2] =	sst s25  }
0xa7: {  	s6 =	sshll.u32 s26, $0x1;
	_ =	strace $0x80000046;
	[dreg:$0x1] =	wrdreg $0xFFFFFFFF  }
0xa8: {  	s28 =	simm.s32 $_size_execute0_lowered;
	s4 =	sadd.s32 s4, s6;
	[dreg:$0x0] =	wrdreg $0x0  }
0xa9: {  	s6 =	sshll.u32 s28, $0x1;
	[dreg:$0x2] =	wrdreg s4  }
0xaa: {  	[dreg:$0x3] =	wrdreg s6  }
0xab: {  	[dreg:$0x4] =	wrdreg $0xC0  }
0xac: {  	_ =	task [dreg:s8], $0x5FFFF  }
0xad: {  	[dreg:$0x1] =	wrdreg $0xFFFFFFFF  }
0xae: {  	[dreg:$0x0] =	wrdreg $0x60  }
0xaf: {  	[dreg:$0x2] =	wrdreg s18  }
0xb0: {  	[dreg:$0x3] =	wrdreg s2  }
0xb1: {  	[dreg:$0x4] =	wrdreg s24  }
0xb2: {  	[dreg:$0x5] =	wrdreg $0x88000  }
0xb3: {  	[dreg:$0x6] =	wrdreg $0x9  }
0xb4: {  	_ =	task.clear_ibuf [dreg:s8], $0x7FFFF;
	_ =	strace $0x90000046  }
0xb5: {  	s29 =	simm.s32 $0x9;
	_ =	strace $0x80000048  }
0xb6: {  	_ =	swait.ge [sflag:s29], $0x1  }
0xb7: {  	[sflag:s29] =	ssyncadd.s32 $0xFFFFFFFF  }
0xb8: {  	_ =	strace $0x90000048  }
0xb9: {  	_ =	sfence  }
0xba: {  	s30 =	sld [smem:$0x0];
	_ =	sdelay $0x2  }
0xbb: {  	s31 =	sshll.u32 s1, $0xD;
	s1 =	sshrl.u32 s1, $0x2  }
0xbc: {  	s3 =	sand.u32 $0x4000, s31;
	s1 =	sadd.s32 s1, s30  }
0xbd: {  	s0 =	sor.u32 s3, s0;
	s1 =	sshll.u32 s1, $0x11  }
0xbe: {  	s0 =	sor.u32 s1, s0  }
0xbf: {  	s0 =	sadd.s32 $0x8F2B, s0  }
0xc0: {  	[sflag:s0] =	ssyncadd.remote.s32 $0x1  }
0xc1: {  	_ =	sfence.sel $0xFFFF  }
0xc2: {  	[dreg:$0x0] =	wrdreg $0xFFFFFFFF;
	(pc) =	sbr.abs _section_cstart, $3  }
0xc3: {  	[dreg:$0x1] =	wrdreg $0xFFFFFFFF  }
0xc4: {  	_ =	task.clear_ibuf [dreg:s8], $0x2FFFF;
	_ =	strace $0x9FFFFFFF  }
0xc5: {  	(tm) =	ssettm $0x7FFFFFFF  }
tec
execute0_lowered:
.L_overlay_start_1:
0x0: {  	(tag) =	ssettag $0x1  }
0x1: {  	s0 =	rddreg [dreg:$0x0]  }
0x2: {  	s2 =	rddreg [dreg:$0x1]  }
0x3: {  	s1 =	rddreg [dreg:$0x2]  }
0x4: {  	s3 =	rddreg [dreg:$0x3];
	s16 =	stileid.u32  }
0x5: {  	s4 =	simm.s32 $0x0;
	s7 =	srdreg.scid;
	s17 =	simm.s32 $0x400  }
0x6: {  	s28 =	simm.s32 $0x500;
	s29 =	simm.s32 $0x200;
	s30 =	simm.s32 $0x580  }
0x7: {  	s31 =	simm.s32 $0x280;
	s5 =	smul.u32 $0x2780, s16;
	[smem:$0x7FF] =	sst s4  }
0x8: {  	s8 =	sadd.s32 $0x29400, s1;
	s7 =	sand.u32 $0x1, s7;
	s19 =	smul.u32 $0x4F000, s16  }
0x9: {  	s9 =	sadd.s32 $0x29C00, s1;
	s10 =	sadd.s32 $0x51400, s1;
	s12 =	sadd.s32 $0x78C00, s1  }
0xa: {  	s20 =	sshll.u32 s16, $0x6;
	s21 =	sshll.u32 s16, $0x1;
	s14 =	smul.u32 $0x6, s16  }
0xb: {  	_ =	strace $0x80000047;
	[dreg:$0x5] =	wrdreg s8;
	s11 =	ssub.s32 $0x2, s7  }
0xc: {  	p0 =	seq.s32 s7, $0x0;
	s15 =	sor.u32 $0x120, s21;
	s7 =	simm.s32 $0x12  }
0xd: {  	s21 =	simm.s32 $0x1;
	s6 =	sadd.s32 s5, s1;
	s13 =	sshrl.u32 s11, $0x1  }
0xe: {  	s8 =	sshrl.u32 s19, $0x2;
	s1 =	sadd.s32 $0xA0400, s1;
	s7 =	simm.s32 @!p0 $0x2  }
0xf: {  	s10 =	smov.u32 @p0 s9;
	s19 =	simm.s32 $0x80;
	s9 =	simm.s32 $0x380  }
0x10: {  	s11 =	ssub.s32 s11, s13;
	s8 =	sadd.s32 s8, s3;
	s13 =	smul.u32 $0x12, s16  }
0x11: {  	s18 =	sadd.s32 $0x1C00, s6;
	s16 =	smul.u32 $0xE, s16;
	s23 =	sadd.s32 s10, s5  }
0x12: {  	s1 =	smov.u32 @p0 s12;
	s10 =	simm.s32 $0x700;
	s12 =	simm.s32 $0x780  }
0x13: {  	s22 =	smax.u32 s11, $0x1;
	[dreg:$0x9] =	wrdreg s23;
	s11 =	simm.s32 $0xE  }
0x14: {  	s1 =	sadd.s32 s1, s5;
	s23 =	simm.s32 $0x2;
	s5 =	simm.s32 $0x680  }
0x15: {  	[dreg:$0x6] =	wrdreg s18;
	s15 =	smov.u32 @p0 s13;
	s13 =	sadd.s32 $0xE0, s14  }
0x16: {  	s14 =	sor.u32 $0x1C03, s20;
	[dreg:$0x8] =	wrdreg s22;
	s11 =	simm.s32 @!p0 $0x6  }
0x17: {  	[dreg:$0xa] =	wrdreg s1;
	s20 =	simm.s32 $0x800;
	s22 =	simm.s32 $0x4800  }
0x18: {  	s1 =	simm.s32 $0x300;
	s13 =	smov.u32 @p0 s16;
	s24 =	sshll.u32 s15, $0x7  }
0x19: {  	s16 =	simm.s32 $0x3;
	s15 =	simm.s32 $0x50000;
	[dreg:$0x7] =	wrdreg s14  }
0x1a: {  	s25 =	sadd.s32 s24, s0;
	s26 =	sshll.u32 s13, $0x7;
	s13 =	sshrl.u32 s8, $0x3  }
0x1b: {  	s24 =	simm.s32 $0x100;
	s8 =	simm.s32 $0x0;
	[dreg:$0xb] =	wrdreg s25  }
0x1c: {  	s0 =	sadd.s32 s26, s0;
	s25 =	simm.s32 $0x480;
	[dreg:$0xd] =	wrdreg s13  }
0x1d: {  	s26 =	simm.s32 $0x180;
	[dreg:$0xc] =	wrdreg s0;
	s0 =	simm.s32 $0x600  }
.LBB2_1:
0x1e: {  	[dreg:$0xe] =	wrdreg s8  }
0x1f: {  	[spmem:s13], [sflag:s14] =	dma.local [hbm:s18], $0x2780  }
.Ltmp0:
0x20: {  	_ =	swait.ge [sflag:s16], $0x2780;
	(pc) =	sbr.rel .LBB2_2-.Ltmp0, $4  }
0x21: {  	[sflag:s16] =	ssyncset.done $0x0  }
0x22: {  	[sflag:s16] =	ssyncadd.s32 $0xFFFFD880  }
0x23: {  	[bflag:$0x0] =	sbarrier.arrive $0xFFFF  }
0x24: {  	s8 =	simm.s32 $0x0;
	s6 =	rddreg [dreg:$0xb]  }
.LBB2_4:
0x25: {  	s8 =	sadd.s32 $0x1, s8  }
0x26: {  	p0 =	sne.s32 s8, $0x12  }
.Ltmp1:
0x27: {  	_ = 	snop;
	(pc) =	sbr.rel @!p0 .LBB2_5-.Ltmp1, $2  }
0x28: {  	_ =	sdelay $0x2  }
0x29: {  	s6 =	sadd.s32 $0x80, s6  }
.LBB2_2:
0x2a: {  	p0 =	sge.u32 s8, s7  }
.Ltmp2:
0x2b: {  	_ = 	snop;
	(pc) =	sbr.rel @p0 .LBB2_4-.Ltmp2, $1  }
0x2c: {  	_ =	sdelay $0x3  }
0x2d: {  	[tilespmem:s4], [sflag:$0x3] =	stream.strided.gather [hbm4b:s6+s17], $0x800, s15, s17, $0x38;
	[tilespmem:$0x1C400] =	vst v63  }
0x2e: {  	_ =	swait.ge [sflag:s16], $0x800  }
0x2f: {  	[sflag:s16] =	ssyncset.done $0x0  }
0x30: {  	[sflag:s16] =	ssyncadd.s32 $0xFFFFF800  }
0x31: {  	[tilespmem:s20], [sflag:$0x1] =	stream.indirect.gather [hbm4b:s2+s19], $0x80, s4, s19, $0xb8;
	[tilespmem:$0x1C400] =	vst v63  }
0x32: {  	_ =	swait.ge [sflag:s21], $0x4000  }
0x33: {  	[sflag:s21] =	ssyncset.done $0x0  }
0x34: {  	[sflag:s21] =	ssyncadd.s32 $0xFFFFC000  }
0x35: {  	[tilespmem:s22], [sflag:$0x2] =	stream.indirect.gather [hbm4b:s2+s19], $0x80, s19, s19, $0xb8;
	[tilespmem:$0x1C400] =	vst v63  }
0x36: {  	_ = 	snop  }
0x37: {  	[spmem:s3] =	stream.indirect.scatter.add.f32 [tilespmem:s20], [sflag:$0x3], $0x80, s17, s19, $0xb8;
	[tilespmem:$0x1C400] =	vst v63  }
0x38: {  	_ =	swait.ge [sflag:s16], $0x4000  }
0x39: {  	[sflag:s16] =	ssyncset.done $0x0  }
0x3a: {  	[sflag:s16] =	ssyncadd.s32 $0xFFFFC000  }
0x3b: {  	_ =	swait.ge [sflag:s23], $0x4000  }
0x3c: {  	[sflag:s23] =	ssyncset.done $0x0  }
0x3d: {  	[sflag:s23] =	ssyncadd.s32 $0xFFFFC000  }
0x3e: {  	[tilespmem:s20], [sflag:$0x1] =	stream.indirect.gather [hbm4b:s2+s19], $0x80, s24, s19, $0xb8;
	[tilespmem:$0x1C400] =	vst v63  }
0x3f: {  	_ = 	snop  }
0x40: {  	[spmem:s3] =	stream.indirect.scatter.add.f32 [tilespmem:s22], [sflag:$0x3], $0x80, s25, s19, $0xb8;
	[tilespmem:$0x1C400] =	vst v63  }
0x41: {  	_ =	swait.ge [sflag:s16], $0x4000  }
0x42: {  	[sflag:s16] =	ssyncset.done $0x0  }
0x43: {  	[sflag:s16] =	ssyncadd.s32 $0xFFFFC000  }
0x44: {  	_ =	swait.ge [sflag:s21], $0x4000  }
0x45: {  	[sflag:s21] =	ssyncset.done $0x0  }
0x46: {  	[sflag:s21] =	ssyncadd.s32 $0xFFFFC000  }
0x47: {  	[tilespmem:s22], [sflag:$0x2] =	stream.indirect.gather [hbm4b:s2+s19], $0x80, s26, s19, $0xb8;
	[tilespmem:$0x1C400] =	vst v63  }
0x48: {  	_ = 	snop  }
0x49: {  	[spmem:s3] =	stream.indirect.scatter.add.f32 [tilespmem:s20], [sflag:$0x3], $0x80, s28, s19, $0xb8;
	[tilespmem:$0x1C400] =	vst v63  }
0x4a: {  	_ =	swait.ge [sflag:s16], $0x4000  }
0x4b: {  	[sflag:s16] =	ssyncset.done $0x0  }
0x4c: {  	[sflag:s16] =	ssyncadd.s32 $0xFFFFC000  }
0x4d: {  	_ =	swait.ge [sflag:s23], $0x4000  }
0x4e: {  	[sflag:s23] =	ssyncset.done $0x0  }
0x4f: {  	[sflag:s23] =	ssyncadd.s32 $0xFFFFC000  }
0x50: {  	[tilespmem:s20], [sflag:$0x1] =	stream.indirect.gather [hbm4b:s2+s19], $0x80, s29, s19, $0xb8;
	[tilespmem:$0x1C400] =	vst v63  }
0x51: {  	_ = 	snop  }
0x52: {  	[spmem:s3] =	stream.indirect.scatter.add.f32 [tilespmem:s22], [sflag:$0x3], $0x80, s30, s19, $0xb8;
	[tilespmem:$0x1C400] =	vst v63  }
0x53: {  	_ =	swait.ge [sflag:s16], $0x4000  }
0x54: {  	[sflag:s16] =	ssyncset.done $0x0  }
0x55: {  	[sflag:s16] =	ssyncadd.s32 $0xFFFFC000  }
0x56: {  	_ =	swait.ge [sflag:s21], $0x4000  }
0x57: {  	[sflag:s21] =	ssyncset.done $0x0  }
0x58: {  	[sflag:s21] =	ssyncadd.s32 $0xFFFFC000  }
0x59: {  	[tilespmem:s22], [sflag:$0x2] =	stream.indirect.gather [hbm4b:s2+s19], $0x80, s31, s19, $0xb8;
	[tilespmem:$0x1C400] =	vst v63  }
0x5a: {  	_ = 	snop  }
0x5b: {  	[spmem:s3] =	stream.indirect.scatter.add.f32 [tilespmem:s20], [sflag:$0x3], $0x80, s0, s19, $0xb8;
	[tilespmem:$0x1C400] =	vst v63  }
0x5c: {  	_ =	swait.ge [sflag:s16], $0x4000  }
0x5d: {  	[sflag:s16] =	ssyncset.done $0x0  }
0x5e: {  	[sflag:s16] =	ssyncadd.s32 $0xFFFFC000  }
0x5f: {  	_ =	swait.ge [sflag:s23], $0x4000  }
0x60: {  	[sflag:s23] =	ssyncset.done $0x0  }
0x61: {  	[sflag:s23] =	ssyncadd.s32 $0xFFFFC000  }
0x62: {  	[tilespmem:s20], [sflag:$0x1] =	stream.indirect.gather [hbm4b:s2+s19], $0x80, s1, s19, $0xb8;
	[tilespmem:$0x1C400] =	vst v63  }
0x63: {  	_ = 	snop  }
0x64: {  	[spmem:s3] =	stream.indirect.scatter.add.f32 [tilespmem:s22], [sflag:$0x3], $0x80, s5, s19, $0xb8;
	[tilespmem:$0x1C400] =	vst v63  }
0x65: {  	_ =	swait.ge [sflag:s16], $0x4000  }
0x66: {  	[sflag:s16] =	ssyncset.done $0x0  }
0x67: {  	[sflag:s16] =	ssyncadd.s32 $0xFFFFC000  }
0x68: {  	_ =	swait.ge [sflag:s21], $0x4000  }
0x69: {  	[sflag:s21] =	ssyncset.done $0x0  }
0x6a: {  	[sflag:s21] =	ssyncadd.s32 $0xFFFFC000  }
0x6b: {  	[tilespmem:s22], [sflag:$0x2] =	stream.indirect.gather [hbm4b:s2+s19], $0x80, s9, s19, $0xb8;
	[tilespmem:$0x1C400] =	vst v63  }
0x6c: {  	_ = 	snop  }
0x6d: {  	[spmem:s3] =	stream.indirect.scatter.add.f32 [tilespmem:s20], [sflag:$0x3], $0x80, s10, s19, $0xb8;
	[tilespmem:$0x1C400] =	vst v63  }
0x6e: {  	_ =	swait.ge [sflag:s16], $0x4000  }
0x6f: {  	[sflag:s16] =	ssyncset.done $0x0  }
0x70: {  	[sflag:s16] =	ssyncadd.s32 $0xFFFFC000  }
0x71: {  	_ =	swait.ge [sflag:s23], $0x4000  }
0x72: {  	[sflag:s23] =	ssyncset.done $0x0  }
.Ltmp3:
0x73: {  	[sflag:s23] =	ssyncadd.s32 $0xFFFFC000;
	(pc) =	sbr.rel .LBB2_4-.Ltmp3, $4  }
0x74: {  	[spmem:s3] =	stream.indirect.scatter.add.f32 [tilespmem:s22], [sflag:$0x3], $0x80, s12, s19, $0xb8;
	[tilespmem:$0x1C400] =	vst v63  }
0x75: {  	_ =	swait.ge [sflag:s16], $0x4000  }
0x76: {  	[sflag:s16] =	ssyncset.done $0x0  }
0x77: {  	[sflag:s16] =	ssyncadd.s32 $0xFFFFC000  }
.LBB2_5:
0x78: {  	[bflag:$0x0] =	sbarrier.arrive $0xFFFF  }
0x79: {  	s6 =	rddreg [dreg:$0x9]  }
0x7a: {  	[hbm:s6], [sflag:s14] =	dma.local [spmem:s13], $0x2780  }
0x7b: {  	_ =	swait.ge [sflag:s16], $0x2780  }
0x7c: {  	[sflag:s16] =	ssyncset.done $0x0  }
0x7d: {  	[sflag:s16] =	ssyncadd.s32 $0xFFFFD880  }
0x7e: {  	[spmem:s13], [sflag:s14] =	dma.local [hbm:s18], $0x2780  }
0x7f: {  	_ =	swait.ge [sflag:s16], $0x2780  }
0x80: {  	[sflag:s16] =	ssyncset.done $0x0  }
0x81: {  	s25 =	simm.s32 $0x0;
	s8 =	rddreg [dreg:$0x5];
	[sflag:s16] =	ssyncadd.s32 $0xFFFFD880  }
0x82: {  	[tilespmem:s20], [sflag:$0x3] =	stream.linear.gather [hbm4b:s8+s25], $0x4000, $0x38;
	[tilespmem:$0x1C400] =	vst v63  }
0x83: {  	_ =	swait.ge [sflag:s16], $0x4000  }
0x84: {  	[sflag:s16] =	ssyncset.done $0x0  }
0x85: {  	p0 =	sle.u32 s11, $0x0;
	[sflag:s16] =	ssyncadd.s32 $0xFFFFC000  }
0x86: {  	s6 =	simm.s32 @!p0 $0x400;
	s13 =	simm.s32 @!p0 $0x0;
	[bflag:$0x0] =	sbarrier.arrive $0xFFFF  }
0x87: {  	s14 =	simm.s32 @!p0 $0x3;
	s8 =	simm.s32 @!p0 $0x50000;
	s18 =	rddreg [dreg:$0xc]  }
0x88: {  	[tilespmem:s13], [sflag:$0x3] =	stream.strided.gather @!p0 [hbm4b:s18+s6], $0x800, s8, s6, $0x38;
	[tilespmem:$0x1C400] =	vst v63  }
0x89: {  	_ =	swait.ge @!p0 [sflag:s14], $0x800;
	p0 =	por p0, p0  }
0x8a: {  	[sflag:s14] =	ssyncset.done @!p0 $0x0  }
0x8b: {  	s8 =	simm.s32 @!p0 $0x80;
	s13 =	simm.s32 @!p0 $0x800;
	[sflag:s14] =	ssyncadd.s32 @!p0 $0xFFFFF800  }
0x8c: {  	[spmem:s3] =	stream.indirect.scatter.add.f32 @!p0 [tilespmem:s13], [sflag:$0x1], $0x80, s6, s8, $0xb8;
	[tilespmem:$0x1C400] =	vst v63  }
0x8d: {  	s14 =	simm.s32 @!p0 $0x1;
	s6 =	simm.s32 @!p0 $0x480  }
0x8e: {  	[spmem:s3] =	stream.indirect.scatter.add.f32 @!p0 [tilespmem:s13], [sflag:$0x2], $0x80, s6, s8, $0xb8;
	[tilespmem:$0x1C400] =	vst v63  }
0x8f: {  	_ =	swait.ge @!p0 [sflag:s14], $0x4000  }
0x90: {  	[sflag:s14] =	ssyncset.done @!p0 $0x0  }
0x91: {  	s6 =	simm.s32 @!p0 $0x2;
	[sflag:s14] =	ssyncadd.s32 @!p0 $0xFFFFC000  }
0x92: {  	_ =	swait.ge @!p0 [sflag:s6], $0x4000  }
0x93: {  	[sflag:s6] =	ssyncset.done @!p0 $0x0  }
0x94: {  	s15 =	simm.s32 @!p0 $0x500;
	[sflag:s6] =	ssyncadd.s32 @!p0 $0xFFFFC000  }
0x95: {  	[spmem:s3] =	stream.indirect.scatter.add.f32 @!p0 [tilespmem:s13], [sflag:$0x1], $0x80, s15, s8, $0xb8;
	[tilespmem:$0x1C400] =	vst v63  }
0x96: {  	s15 =	simm.s32 @!p0 $0x580  }
0x97: {  	[spmem:s3] =	stream.indirect.scatter.add.f32 @!p0 [tilespmem:s13], [sflag:$0x2], $0x80, s15, s8, $0xb8;
	[tilespmem:$0x1C400] =	vst v63  }
0x98: {  	_ =	swait.ge @!p0 [sflag:s14], $0x4000  }
0x99: {  	[sflag:s14] =	ssyncset.done @!p0 $0x0  }
0x9a: {  	[sflag:s14] =	ssyncadd.s32 @!p0 $0xFFFFC000  }
0x9b: {  	_ =	swait.ge @!p0 [sflag:s6], $0x4000  }
0x9c: {  	[sflag:s6] =	ssyncset.done @!p0 $0x0  }
0x9d: {  	s15 =	simm.s32 @!p0 $0x600;
	[sflag:s6] =	ssyncadd.s32 @!p0 $0xFFFFC000  }
0x9e: {  	[spmem:s3] =	stream.indirect.scatter.add.f32 @!p0 [tilespmem:s13], [sflag:$0x1], $0x80, s15, s8, $0xb8;
	[tilespmem:$0x1C400] =	vst v63  }
0x9f: {  	s15 =	simm.s32 @!p0 $0x680  }
0xa0: {  	[spmem:s3] =	stream.indirect.scatter.add.f32 @!p0 [tilespmem:s13], [sflag:$0x2], $0x80, s15, s8, $0xb8;
	[tilespmem:$0x1C400] =	vst v63  }
0xa1: {  	_ =	swait.ge @!p0 [sflag:s14], $0x4000  }
0xa2: {  	[sflag:s14] =	ssyncset.done @!p0 $0x0  }
0xa3: {  	[sflag:s14] =	ssyncadd.s32 @!p0 $0xFFFFC000  }
0xa4: {  	_ =	swait.ge @!p0 [sflag:s6], $0x4000  }
0xa5: {  	[sflag:s6] =	ssyncset.done @!p0 $0x0  }
0xa6: {  	s15 =	simm.s32 @!p0 $0x700;
	[sflag:s6] =	ssyncadd.s32 @!p0 $0xFFFFC000  }
0xa7: {  	[spmem:s3] =	stream.indirect.scatter.add.f32 @!p0 [tilespmem:s13], [sflag:$0x1], $0x80, s15, s8, $0xb8;
	[tilespmem:$0x1C400] =	vst v63  }
0xa8: {  	s15 =	simm.s32 @!p0 $0x780  }
0xa9: {  	[spmem:s3] =	stream.indirect.scatter.add.f32 @!p0 [tilespmem:s13], [sflag:$0x2], $0x80, s15, s8, $0xb8;
	[tilespmem:$0x1C400] =	vst v63  }
0xaa: {  	_ =	swait.ge @!p0 [sflag:s14], $0x4000  }
0xab: {  	[sflag:s14] =	ssyncset.done @!p0 $0x0  }
0xac: {  	s8 =	simm.s32 $0x1;
	[sflag:s14] =	ssyncadd.s32 @!p0 $0xFFFFC000  }
0xad: {  	s15 =	simm.s32 $0x2;
	s14 =	sadd.s32 $0x80, s18;
	_ =	swait.ge @!p0 [sflag:s6], $0x4000  }
.LBB2_6:
0xae: {  	p2 =	sge.u32 s8, s11  }
0xaf: {  	[sflag:s6] =	ssyncset.done @!p0 $0x0;
	s8 =	smov.u32 s15;
	s15 =	sadd.s32 $0x1, s15  }
0xb0: {  	s18 =	simm.s32 @!p2 $0x400;
	s13 =	simm.s32 @!p2 $0x50000;
	[sflag:s6] =	ssyncadd.s32 @!p0 $0xFFFFC000  }
0xb1: {  	p1 =	sne.s32 s15, $0xE;
	s6 =	simm.s32 @!p2 $0x0;
	s24 =	simm.s32 @!p2 $0x3  }
0xb2: {  	[tilespmem:s6], [sflag:$0x3] =	stream.strided.gather @!p2 [hbm4b:s14+s18], $0x800, s13, s18, $0x38;
	[tilespmem:$0x1C400] =	vst v63  }
0xb3: {  	p0 =	por p2, p2;
	_ =	swait.ge @!p2 [sflag:s24], $0x800  }
0xb4: {  	[sflag:s24] =	ssyncset.done @!p0 $0x0  }
0xb5: {  	s13 =	simm.s32 @!p0 $0x80;
	[sflag:s24] =	ssyncadd.s32 @!p0 $0xFFFFF800;
	s24 =	simm.s32 @!p0 $0x800  }
0xb6: {  	[spmem:s3] =	stream.indirect.scatter.add.f32 @!p0 [tilespmem:s24], [sflag:$0x1], $0x80, s18, s13, $0xb8;
	[tilespmem:$0x1C400] =	vst v63  }
0xb7: {  	s6 =	simm.s32 @!p0 $0x480;
	s18 =	simm.s32 @!p0 $0x1  }
0xb8: {  	[spmem:s3] =	stream.indirect.scatter.add.f32 @!p0 [tilespmem:s24], [sflag:$0x2], $0x80, s6, s13, $0xb8;
	[tilespmem:$0x1C400] =	vst v63  }
0xb9: {  	_ =	swait.ge @!p0 [sflag:s18], $0x4000  }
0xba: {  	[sflag:s18] =	ssyncset.done @!p0 $0x0  }
0xbb: {  	s6 =	simm.s32 @!p0 $0x2;
	[sflag:s18] =	ssyncadd.s32 @!p0 $0xFFFFC000  }
0xbc: {  	_ =	swait.ge @!p0 [sflag:s6], $0x4000  }
0xbd: {  	[sflag:s6] =	ssyncset.done @!p0 $0x0  }
0xbe: {  	s25 =	simm.s32 @!p0 $0x500;
	[sflag:s6] =	ssyncadd.s32 @!p0 $0xFFFFC000  }
0xbf: {  	[spmem:s3] =	stream.indirect.scatter.add.f32 @!p0 [tilespmem:s24], [sflag:$0x1], $0x80, s25, s13, $0xb8;
	[tilespmem:$0x1C400] =	vst v63  }
0xc0: {  	s25 =	simm.s32 @!p0 $0x580  }
0xc1: {  	[spmem:s3] =	stream.indirect.scatter.add.f32 @!p0 [tilespmem:s24], [sflag:$0x2], $0x80, s25, s13, $0xb8;
	[tilespmem:$0x1C400] =	vst v63  }
0xc2: {  	_ =	swait.ge @!p0 [sflag:s18], $0x4000  }
0xc3: {  	[sflag:s18] =	ssyncset.done @!p0 $0x0  }
0xc4: {  	[sflag:s18] =	ssyncadd.s32 @!p0 $0xFFFFC000  }
0xc5: {  	_ =	swait.ge @!p0 [sflag:s6], $0x4000  }
0xc6: {  	[sflag:s6] =	ssyncset.done @!p0 $0x0  }
0xc7: {  	s25 =	simm.s32 @!p0 $0x600;
	[sflag:s6] =	ssyncadd.s32 @!p0 $0xFFFFC000  }
0xc8: {  	[spmem:s3] =	stream.indirect.scatter.add.f32 @!p0 [tilespmem:s24], [sflag:$0x1], $0x80, s25, s13, $0xb8;
	[tilespmem:$0x1C400] =	vst v63  }
0xc9: {  	s25 =	simm.s32 @!p0 $0x680  }
0xca: {  	[spmem:s3] =	stream.indirect.scatter.add.f32 @!p0 [tilespmem:s24], [sflag:$0x2], $0x80, s25, s13, $0xb8;
	[tilespmem:$0x1C400] =	vst v63  }
0xcb: {  	_ =	swait.ge @!p0 [sflag:s18], $0x4000  }
0xcc: {  	[sflag:s18] =	ssyncset.done @!p0 $0x0  }
0xcd: {  	[sflag:s18] =	ssyncadd.s32 @!p0 $0xFFFFC000  }
0xce: {  	_ =	swait.ge @!p0 [sflag:s6], $0x4000  }
0xcf: {  	[sflag:s6] =	ssyncset.done @!p0 $0x0  }
0xd0: {  	s25 =	simm.s32 @!p0 $0x700;
	[sflag:s6] =	ssyncadd.s32 @!p0 $0xFFFFC000  }
0xd1: {  	[spmem:s3] =	stream.indirect.scatter.add.f32 @!p0 [tilespmem:s24], [sflag:$0x1], $0x80, s25, s13, $0xb8;
	[tilespmem:$0x1C400] =	vst v63  }
0xd2: {  	s25 =	simm.s32 @!p0 $0x780  }
0xd3: {  	[spmem:s3] =	stream.indirect.scatter.add.f32 @!p0 [tilespmem:s24], [sflag:$0x2], $0x80, s25, s13, $0xb8;
	[tilespmem:$0x1C400] =	vst v63  }
.Ltmp4:
0xd4: {  	_ = 	snop;
	(pc) =	sbr.rel @p1 .LBB2_6-.Ltmp4, $4  }
0xd5: {  	_ =	swait.ge @!p0 [sflag:s18], $0x4000  }
0xd6: {  	[sflag:s18] =	ssyncset.done @!p0 $0x0  }
0xd7: {  	[sflag:s18] =	ssyncadd.s32 @!p0 $0xFFFFC000  }
0xd8: {  	s14 =	sadd.s32 $0x80, s14;
	_ =	swait.ge @!p0 [sflag:s6], $0x4000  }
0xd9: {  	p1 =	sge.u32 s8, s11  }
0xda: {  	[sflag:s6] =	ssyncset.done @!p0 $0x0;
	s8 =	simm.s32 @!p1 $0x400;
	s13 =	simm.s32 @!p1 $0x50000  }
0xdb: {  	[sflag:s6] =	ssyncadd.s32 @!p0 $0xFFFFC000;
	s6 =	simm.s32 @!p1 $0x0;
	s15 =	simm.s32 @!p1 $0x3  }
0xdc: {  	[tilespmem:s6], [sflag:$0x3] =	stream.strided.gather @!p1 [hbm4b:s14+s8], $0x800, s13, s8, $0x38;
	[tilespmem:$0x1C400] =	vst v63  }
0xdd: {  	p0 =	por p1, p1;
	_ =	swait.ge @!p1 [sflag:s15], $0x800  }
0xde: {  	[sflag:s15] =	ssyncset.done @!p0 $0x0  }
0xdf: {  	s6 =	simm.s32 @!p0 $0x80;
	s13 =	simm.s32 @!p0 $0x800;
	[sflag:s15] =	ssyncadd.s32 @!p0 $0xFFFFF800  }
0xe0: {  	[spmem:s3] =	stream.indirect.scatter.add.f32 @!p0 [tilespmem:s13], [sflag:$0x1], $0x80, s8, s6, $0xb8;
	[tilespmem:$0x1C400] =	vst v63  }
0xe1: {  	s14 =	simm.s32 @!p0 $0x1;
	s8 =	simm.s32 @!p0 $0x480  }
0xe2: {  	[spmem:s3] =	stream.indirect.scatter.add.f32 @!p0 [tilespmem:s13], [sflag:$0x2], $0x80, s8, s6, $0xb8;
	[tilespmem:$0x1C400] =	vst v63  }
0xe3: {  	_ =	swait.ge @!p0 [sflag:s14], $0x4000  }
0xe4: {  	[sflag:s14] =	ssyncset.done @!p0 $0x0  }
0xe5: {  	s8 =	simm.s32 @!p0 $0x2;
	[sflag:s14] =	ssyncadd.s32 @!p0 $0xFFFFC000  }
0xe6: {  	_ =	swait.ge @!p0 [sflag:s8], $0x4000  }
0xe7: {  	[sflag:s8] =	ssyncset.done @!p0 $0x0  }
0xe8: {  	s15 =	simm.s32 @!p0 $0x500;
	[sflag:s8] =	ssyncadd.s32 @!p0 $0xFFFFC000  }
0xe9: {  	[spmem:s3] =	stream.indirect.scatter.add.f32 @!p0 [tilespmem:s13], [sflag:$0x1], $0x80, s15, s6, $0xb8;
	[tilespmem:$0x1C400] =	vst v63  }
0xea: {  	s15 =	simm.s32 @!p0 $0x580  }
0xeb: {  	[spmem:s3] =	stream.indirect.scatter.add.f32 @!p0 [tilespmem:s13], [sflag:$0x2], $0x80, s15, s6, $0xb8;
	[tilespmem:$0x1C400] =	vst v63  }
0xec: {  	_ =	swait.ge @!p0 [sflag:s14], $0x4000  }
0xed: {  	[sflag:s14] =	ssyncset.done @!p0 $0x0  }
0xee: {  	[sflag:s14] =	ssyncadd.s32 @!p0 $0xFFFFC000  }
0xef: {  	_ =	swait.ge @!p0 [sflag:s8], $0x4000  }
0xf0: {  	[sflag:s8] =	ssyncset.done @!p0 $0x0  }
0xf1: {  	s15 =	simm.s32 @!p0 $0x600;
	[sflag:s8] =	ssyncadd.s32 @!p0 $0xFFFFC000  }
0xf2: {  	[spmem:s3] =	stream.indirect.scatter.add.f32 @!p0 [tilespmem:s13], [sflag:$0x1], $0x80, s15, s6, $0xb8;
	[tilespmem:$0x1C400] =	vst v63  }
0xf3: {  	s15 =	simm.s32 @!p0 $0x680  }
0xf4: {  	[spmem:s3] =	stream.indirect.scatter.add.f32 @!p0 [tilespmem:s13], [sflag:$0x2], $0x80, s15, s6, $0xb8;
	[tilespmem:$0x1C400] =	vst v63  }
0xf5: {  	_ =	swait.ge @!p0 [sflag:s14], $0x4000  }
0xf6: {  	[sflag:s14] =	ssyncset.done @!p0 $0x0  }
0xf7: {  	[sflag:s14] =	ssyncadd.s32 @!p0 $0xFFFFC000  }
0xf8: {  	_ =	swait.ge @!p0 [sflag:s8], $0x4000  }
0xf9: {  	[sflag:s8] =	ssyncset.done @!p0 $0x0  }
0xfa: {  	s15 =	simm.s32 @!p0 $0x700;
	[sflag:s8] =	ssyncadd.s32 @!p0 $0xFFFFC000  }
0xfb: {  	[spmem:s3] =	stream.indirect.scatter.add.f32 @!p0 [tilespmem:s13], [sflag:$0x1], $0x80, s15, s6, $0xb8;
	[tilespmem:$0x1C400] =	vst v63  }
0xfc: {  	s15 =	simm.s32 @!p0 $0x780  }
0xfd: {  	[spmem:s3] =	stream.indirect.scatter.add.f32 @!p0 [tilespmem:s13], [sflag:$0x2], $0x80, s15, s6, $0xb8;
	[tilespmem:$0x1C400] =	vst v63  }
0xfe: {  	_ =	swait.ge @!p0 [sflag:s14], $0x4000  }
0xff: {  	[sflag:s14] =	ssyncset.done @!p0 $0x0  }
0x100: {  	[sflag:s14] =	ssyncadd.s32 @!p0 $0xFFFFC000  }
0x101: {  	_ =	swait.ge @!p0 [sflag:s8], $0x4000  }
0x102: {  	[sflag:s8] =	ssyncset.done @!p0 $0x0  }
0x103: {  	[sflag:s8] =	ssyncadd.s32 @!p0 $0xFFFFC000  }
0x104: {  	[bflag:$0x0] =	sbarrier.arrive $0xFFFF  }
0x105: {  	s14 =	rddreg [dreg:$0x7]  }
0x106: {  	s18 =	rddreg [dreg:$0xa]  }
0x107: {  	s13 =	rddreg [dreg:$0xd]  }
0x108: {  	[hbm:s18], [sflag:s14] =	dma.local [spmem:s13], $0x2780  }
0x109: {  	_ =	swait.ge [sflag:s16], $0x2780  }
0x10a: {  	s24 =	rddreg [dreg:$0xe]  }
0x10b: {  	s25 =	rddreg [dreg:$0x8];
	s8 =	sadd.s32 $0x1, s24  }
0x10c: {  	p0 =	sne.s32 s8, s25  }
.Ltmp5:
0x10d: {  	_ = 	snop;
	(pc) =	sbr.rel @p0 .LBB2_1-.Ltmp5, $3  }
0x10e: {  	_ =	sdelay $0x1  }
0x10f: {  	s15 =	simm.s32 $0x50000;
	[sflag:s16] =	ssyncset.done $0x0;
	s18 =	rddreg [dreg:$0x6]  }
0x110: {  	[sflag:s16] =	ssyncadd.s32 $0xFFFFD880;
	s24 =	simm.s32 $0x100;
	s25 =	simm.s32 $0x480  }
0x111: {  	_ =	sfence.sel $0x180000  }
0x112: {  	[bflag:$0x0] =	sbarrier.arrive $0xFFFF  }
0x113: {  	_ =	strace $0x90000047  }
0x114: {  	s0 =	stileid.u32;
	[bflag:$0x2] =	sbarrier.arrive $0xFFFF  }
0x115: {  	p0 =	sne.s32 s0, $0x0;
	s0 =	rddreg [dreg:$0x4]  }
0x116: {  	s0 =	sadd.s32 @!p0 $0x100000, s0  }
0x117: {  	[sflag:s0] =	ssyncadd.tile.s32 @!p0 $0x1;
	_ =	shalt  }
.Lfunc_end2:
_tile_overlayer_lowered:
.L_overlay_start_2:
0x118: {  	(tag) =	ssettag $0x2  }
0x119: {  	s0 =	rddreg [dreg:$0x0];
	s2 =	stileid.u32  }
0x11a: {  	s1 =	rddreg [dreg:$0x1];
	p0 =	sne.s32 s2, $0x0  }
0x11b: {  	s3 =	rddreg [dreg:$0x2];
	[bflag:$0x3] =	sbarrier.arrive $0xFFFF;
	s2 =	simm.s32 @!p0 $0x1C03  }
0x11c: {  	[timem:s3], [sflag:s2] =	dma.local @!p0 [hbm:s0], s1  }
0x11d: {  	s0 =	simm.s32 @!p0 $0x3  }
0x11e: {  	_ =	swait.ge @!p0 [sflag:s0], s1  }
0x11f: {  	s1 =	ssub.s32 @!p0 $0x0, s1;
	[sflag:s0] =	ssyncset.done @!p0 $0x0  }
0x120: {  	[sflag:s0] =	ssyncadd.s32 @!p0 s1  }
0x121: {  	[bflag:$0x3] =	sbarrier.arrive $0xFFFF  }
0x122: {  	_ =	shalt  }

// kernel: kernel.9.cloned.1.call-start
scs
__scs_entry_jumppad:
0x0: {  	(pc) =	sbr.rel $0x88, $3  }
0x1: {  	(tag) =	ssettag $0x0;
	lr =	simm.s32 $0x1  }
0x2: {  	[smem:$0x3F9C] =	sst lr;
	_ =	strace $0xD0000000  }
0x3: {  	_ = 	snop  }
0x4: {  	_ = 	snop  }
0x5: {  	_ = 	snop  }
0x6: {  	_ = 	snop  }
0x7: {  	_ = 	snop  }
__scs_overlays_trampoline_lowered:
0x8: {  	[smem:$0x3FAB] =	sst s0  }
0x9: {  	[smem:$0x3FAC] =	sst s1  }
0xa: {  	[smem:$0x3FAD] =	sst s2  }
0xb: {  	[smem:$0x3FAE] =	sst s3  }
0xc: {  	[smem:$0x3FAF] =	sst s4  }
0xd: {  	[smem:$0x3FB0] =	sst s5  }
0xe: {  	[smem:$0x3FB1] =	sst s6  }
0xf: {  	[smem:$0x3FB2] =	sst s7  }
0x10: {  	[smem:$0x3FB3] =	sst s8  }
0x11: {  	[smem:$0x3FB4] =	sst s9;
	s0 =	simm.s32 @!p0 $0x0  }
0x12: {  	s1 =	sld [smem:$0x3F9A];
	s0 =	simm.s32 @p0 $0x1  }
0x13: {  	[smem:$0x3FB5] =	sst s0;
	s0 =	simm.s32 @!p1 $0x0  }
0x14: {  	s2 =	sld [smem:$0x3F99];
	s0 =	simm.s32 @p1 $0x1  }
0x15: {  	[smem:$0x3FB6] =	sst s0;
	s0 =	simm.s32 @!p2 $0x0  }
0x16: {  	s3 =	sld [smem:$0x3FDB];
	s0 =	simm.s32 @p2 $0x1  }
0x17: {  	s4 =	simm.s32 $0x1BF5;
	[smem:$0x3FB8] =	sst s0  }
0x18: {  	s0 =	sld [smem:$0x3F9B];
	_ =	swait.ge [sflag:s4], $0x0  }
0x19: {  	s7 =	sld [smem:$0x3F9C]  }
0x1a: {  	s8 =	sadd.s32 $0xFFFFE003, lr  }
0x1b: {  	s9 =	sadd.s32 $0xFFFFFEF7, lr;
	s5 =	simm.s32 $0xFFFFFFFF;
	p2 =	slt.u32 s8, $0xFFFFF086  }
0x1c: {  	p1 =	slt.u32 s9, $0xF7A;
	s5 =	simm.s32 @!p2 $0x0  }
0x1d: {  	s5 =	simm.s32 @p1 $0x1;
	p0 =	seq.s32 s7, s2  }
0x1e: {  	s7 =	smul.u32 @!p0 $0xF7A, s2;
	p2 =	seq.s32 @!p0 s5, $0x0  }
0x1f: {  	s9 =	smul.u32 $0xF7A, s1;
	s8 =	simm.s32 @!p0 $0x1BF5;
	p2 =	por !p2, p0  }
0x20: {  	[sflag:s8] =	ssyncset.s32 @!p0 $0xFFFFF086;
	s6 =	sadd.s32 @!p0 s3, s7;
	s7 =	simm.s32 @!p0 $0x108  }
0x21: {  	s3 =	sadd.s32 s3, s9;
	s6 =	sadd.s32 @!p0 $0x88, s6;
	s7 =	simm.s32 @p2 $0x1082  }
0x22: {  	[simem:s7], [sflag:s8] =	dma.local @!p0 [hbm:s6], $0xF7A  }
0x23: {  	s9 =	sor.u32 $0xD0000000, s2;
	s6 =	simm.s32 $0x108;
	_ =	swait.ge @!p0 [sflag:s8], $0x0  }
0x24: {  	s3 =	sadd.s32 $0x88, s3;
	s6 =	simm.s32 @!p1 $0x1082;
	[sflag:s4] =	ssyncset.s32 $0xFFFFF086  }
0x25: {  	[simem:s6], [sflag:s4] =	dma.local [hbm:s3], $0xF7A  }
0x26: {  	[smem:$0x3F9C] =	sst s1;
	(tag) =	ssettag s2;
	_ =	strace s9  }
0x27: {  	s1 =	sld [smem:$0x3FAC]  }
0x28: {  	s2 =	sld [smem:$0x3FAD]  }
0x29: {  	s4 =	sld [smem:$0x3FAF]  }
0x2a: {  	p0 =	seq.s32 s5, $0x0;
	s5 =	sld [smem:$0x3FB0]  }
0x2b: {  	s6 =	sld [smem:$0x3FB1]  }
0x2c: {  	s7 =	sld [smem:$0x3FB2]  }
0x2d: {  	s3 =	simm.s32 $0x108;
	s8 =	sld [smem:$0x3FB3]  }
0x2e: {  	s3 =	simm.s32 @!p0 $0x1082;
	s9 =	sld [smem:$0x3FB4]  }
0x2f: {  	lr =	sadd.s32 s0, s3;
	s0 =	sld [smem:$0x3FAB]  }
0x30: {  	s3 =	sld [smem:$0x3FAE]  }
0x31: {  	[smem:$0x3FB7] =	sst s10  }
0x32: {  	s10 =	sld [smem:$0x3FB5];
	_ =	sdelay $0x3  }
0x33: {  	p0 =	seq.s32 s10, $0x1;
	s10 =	sld [smem:$0x3FB7];
	_ =	sdelay $0x3  }
0x34: {  	[smem:$0x3FB7] =	sst s10  }
0x35: {  	s10 =	sld [smem:$0x3FB6];
	_ =	sdelay $0x3  }
0x36: {  	p1 =	seq.s32 s10, $0x1;
	s10 =	sld [smem:$0x3FB7];
	_ =	sdelay $0x3  }
0x37: {  	[smem:$0x3FB7] =	sst s10  }
0x38: {  	s10 =	sld [smem:$0x3FB8]  }
0x39: {  	_ = 	snop;
	(pc) =	sbr.ind lr, $3  }
0x3a: {  	_ = 	snop  }
0x3b: {  	_ = 	snop  }
0x3c: {  	p2 =	seq.s32 s10, $0x1;
	s10 =	sld [smem:$0x3FB7]  }
0x3d: {  	_ =	shalt  }
0x3e: {  	_ =	shalt  }
0x3f: {  	_ =	shalt  }
0x40: {  	_ =	shalt  }
0x41: {  	_ =	shalt  }
0x42: {  	_ =	shalt  }
0x43: {  	_ =	shalt  }
0x44: {  	_ =	shalt  }
0x45: {  	_ =	shalt  }
0x46: {  	_ =	shalt  }
0x47: {  	_ =	shalt  }
0x48: {  	_ =	shalt  }
0x49: {  	_ =	shalt  }
0x4a: {  	_ =	shalt  }
0x4b: {  	_ =	shalt  }
0x4c: {  	_ =	shalt  }
0x4d: {  	_ =	shalt  }
0x4e: {  	_ =	shalt  }
0x4f: {  	_ =	shalt  }
0x50: {  	_ =	shalt  }
0x51: {  	_ =	shalt  }
0x52: {  	_ =	shalt  }
0x53: {  	_ =	shalt  }
0x54: {  	_ =	shalt  }
0x55: {  	_ =	shalt  }
0x56: {  	_ =	shalt  }
0x57: {  	_ =	shalt  }
0x58: {  	_ =	shalt  }
0x59: {  	_ =	shalt  }
0x5a: {  	_ =	shalt  }
0x5b: {  	_ =	shalt  }
0x5c: {  	_ =	shalt  }
0x5d: {  	_ =	shalt  }
0x5e: {  	_ =	shalt  }
0x5f: {  	_ =	shalt  }
0x60: {  	_ =	shalt  }
0x61: {  	_ =	shalt  }
0x62: {  	_ =	shalt  }
0x63: {  	_ =	shalt  }
0x64: {  	_ =	shalt  }
0x65: {  	_ =	shalt  }
0x66: {  	_ =	shalt  }
0x67: {  	_ =	shalt  }
0x68: {  	_ =	shalt  }
0x69: {  	_ =	shalt  }
0x6a: {  	_ =	shalt  }
0x6b: {  	_ =	shalt  }
0x6c: {  	_ =	shalt  }
0x6d: {  	_ =	shalt  }
0x6e: {  	_ =	shalt  }
0x6f: {  	_ =	shalt  }
0x70: {  	_ =	shalt  }
0x71: {  	_ =	shalt  }
0x72: {  	_ =	shalt  }
0x73: {  	_ =	shalt  }
0x74: {  	_ =	shalt  }
0x75: {  	_ =	shalt  }
0x76: {  	_ =	shalt  }
0x77: {  	_ =	shalt  }
0x78: {  	_ =	shalt  }
0x79: {  	_ =	shalt  }
0x7a: {  	_ =	shalt  }
0x7b: {  	_ =	shalt  }
0x7c: {  	_ =	shalt  }
0x7d: {  	_ =	shalt  }
0x7e: {  	_ =	shalt  }
0x7f: {  	_ =	shalt  }
0x80: {  	_ =	shalt  }
0x81: {  	_ =	shalt  }
0x82: {  	_ =	shalt  }
0x83: {  	_ =	shalt  }
0x84: {  	_ =	shalt  }
0x85: {  	_ =	shalt  }
0x86: {  	_ =	shalt  }
0x87: {  	_ =	shalt  }
.Lfunc_end0:
.L_simem_size_0:
called_computation.1_lowered:
.L_overlay_start_0:
0x88: {  	s2 =	sld [smem:$0x3FD9]  }
0x89: {  	s3 =	sld [smem:$0x3FFE];
	_ =	sdelay $0x1  }
0x8a: {  	s1 =	srdreg.scid  }
0x8b: {  	s0 =	sand.u32 $0x1, s1  }
0x8c: {  	s17 =	sshll.u32 s0, $0xA;
	s2 =	sadd.s32 s3, s2  }
0x8d: {  	s2 =	sadd.s32 s2, s17  }
0x8e: {  	[smem:$0x3FC3] =	sst s2  }
0x8f: {  	_ = 	snop  }
0x90: {  	s2 =	sld [smem:$0x3FC7];
	(tm) =	ssettm $0x1  }
0x91: {  	s18 =	sld [smem:$0x3FFB];
	_ =	sdelay $0x3  }
0x92: {  	_ =	strace s18  }
0x93: {  	s3 =	sld [smem:$0x3FFC];
	_ =	sdelay $0x3  }
0x94: {  	_ =	strace s3  }
0x95: {  	s3 =	sld [smem:$0x3FFD];
	_ =	sdelay $0x3  }
0x96: {  	_ =	strace s3  }
0x97: {  	_ =	strace $0x8FFFFFFF  }
0x98: {  	s19 =	sld [smem:$0x3FDB];
	_ =	sdelay $0x1  }
0x99: {  	s4 =	simm.s32 $_scs_section_size  }
0x9a: {  	s5 =	simm.s32 $_size__tile_overlayer_lowered;
	s6 =	simm.s32 $_tile_overlayer_lowered  }
0x9b: {  	s22 =	simm.s32 $0x1BFF;
	s21 =	sshll.u32 s6, $0x1;
	s3 =	sadd.s32 s4, s19  }
0x9c: {  	s7 =	simm.s32 $0x0;
	s20 =	sshll.u32 s5, $0x1;
	s5 =	sadd.s32 s21, s3  }
0x9d: {  	[timem:s7], [sflag:s22] =	dma.local [hbm:s5], s20  }
0x9e: {  	_ =	swait.ge [sflag:s22], s20  }
0x9f: {  	s4 =	ssub.s32 $0x0, s20;
	[sflag:s22] =	ssyncset.done $0x0  }
0xa0: {  	[sflag:s22] =	ssyncadd.s32 s4;
	_ =	sdelay $0x1  }
0xa1: {  	s23 =	simm.s32 $0x1B8B  }
0xa2: {  	_ =	swait.ge [sflag:s23], $0x1  }
0xa3: {  	[sflag:s23] =	ssyncset.done $0x0  }
0xa4: {  	s25 =	simm.s32 $0x1B8E;
	s24 =	sld [smem:$0x3FFE];
	[sflag:s23] =	ssyncadd.s32 $0xFFFFFFFF  }
0xa5: {  	s26 =	simm.s32 $execute0_lowered;
	[smem:$0x3FD2] =	sst s25  }
0xa6: {  	s5 =	sshll.u32 s26, $0x1;
	_ =	strace $0x80000049;
	[dreg:$0x1] =	wrdreg $0xFFFFFFFF  }
0xa7: {  	s28 =	simm.s32 $_size_execute0_lowered;
	s3 =	sadd.s32 s3, s5;
	[dreg:$0x0] =	wrdreg $0x0  }
0xa8: {  	s5 =	sshll.u32 s28, $0x1;
	[dreg:$0x2] =	wrdreg s3  }
0xa9: {  	[dreg:$0x3] =	wrdreg s5  }
0xaa: {  	[dreg:$0x4] =	wrdreg $0xC0  }
0xab: {  	_ =	task [dreg:s7], $0x5FFFF  }
0xac: {  	[dreg:$0x1] =	wrdreg $0xFFFFFFFF  }
0xad: {  	[dreg:$0x0] =	wrdreg $0x60  }
0xae: {  	[dreg:$0x2] =	wrdreg s24  }
0xaf: {  	[dreg:$0x3] =	wrdreg s2  }
0xb0: {  	[dreg:$0x4] =	wrdreg $0x9  }
0xb1: {  	_ =	task.clear_ibuf [dreg:s7], $0x5FFFF;
	_ =	strace $0x90000049  }
0xb2: {  	s29 =	simm.s32 $0x9;
	_ =	strace $0x8000004B  }
0xb3: {  	_ =	swait.ge [sflag:s29], $0x1  }
0xb4: {  	[sflag:s29] =	ssyncadd.s32 $0xFFFFFFFF  }
0xb5: {  	_ =	strace $0x9000004B  }
0xb6: {  	_ =	sfence  }
0xb7: {  	s30 =	sld [smem:$0x0];
	_ =	sdelay $0x2  }
0xb8: {  	s31 =	sshll.u32 s1, $0xD;
	s1 =	sshrl.u32 s1, $0x2  }
0xb9: {  	s3 =	sand.u32 $0x4000, s31;
	s1 =	sadd.s32 s1, s30  }
0xba: {  	s0 =	sor.u32 s3, s0;
	s1 =	sshll.u32 s1, $0x11  }
0xbb: {  	s0 =	sor.u32 s1, s0  }
0xbc: {  	s0 =	sadd.s32 $0x8F2B, s0  }
0xbd: {  	[sflag:s0] =	ssyncadd.remote.s32 $0x1  }
0xbe: {  	_ =	sfence.sel $0xFFFF  }
0xbf: {  	[dreg:$0x0] =	wrdreg $0xFFFFFFFF;
	(pc) =	sbr.abs _section_cstart, $3  }
0xc0: {  	[dreg:$0x1] =	wrdreg $0xFFFFFFFF  }
0xc1: {  	_ =	task.clear_ibuf [dreg:s7], $0x2FFFF;
	_ =	strace $0x9FFFFFFF  }
0xc2: {  	(tm) =	ssettm $0x7FFFFFFF  }
0xc3: {  	_ =	shalt  }
tec
execute0_lowered:
.L_overlay_start_1:
0x0: {  	(tag) =	ssettag $0x1  }
0x1: {  	s4 =	rddreg [dreg:$0x0]  }
0x2: {  	s2 =	rddreg [dreg:$0x1]  }
0x3: {  	s0 =	rddreg [dreg:$0x2]  }
0x4: {  	s5 =	srdreg.scid;
	s1 =	stileid.u32;
	s3 =	simm.s32 $0x0  }
0x5: {  	s11 =	simm.s32 $0x80;
	s12 =	simm.s32 $0x1480;
	s6 =	smul.u32 $0x280, s1  }
0x6: {  	s13 =	simm.s32 $0x1;
	s5 =	sand.u32 $0x1, s5;
	s8 =	smul.u32 $0x2800, s1  }
0x7: {  	s14 =	simm.s32 $0x2;
	s15 =	simm.s32 $0x0;
	s7 =	smul.u32 $0x140, s5  }
0x8: {  	[smem:$0x7FF] =	sst s3;
	s29 =	ssub.s32 $0x2, s5;
	s5 =	smul.u32 $0x1400, s5  }
0x9: {  	_ =	strace $0x8000004A;
	s8 =	sadd.s32 s8, s4;
	s9 =	sshrl.u32 s29, $0x1  }
0xa: {  	s6 =	sadd.s32 s7, s6;
	s30 =	ssub.s32 s29, s9;
	s31 =	sadd.s32 s5, s8  }
0xb: {  	s9 =	simm.s32 $0x3;
	s6 =	sshrl.u32 s6, $0x3;
	s5 =	smax.u32 s30, $0x1  }
0xc: {  	s7 =	sadd.s32 $0x51400, s31;
	s10 =	sadd.s32 s6, s4;
	s4 =	sadd.s32 $0x1C00, s4  }
0xd: {  	s6 =	sadd.s32 $0x29400, s31;
	s8 =	sadd.s32 $0xC7C00, s10;
	s10 =	simm.s32 $0x28  }
.LBB2_1:
0xe: {  	[tilespmem:s3], [sflag:$0x3] =	stream.linear.gather [hbm4b:s8+s3], $0x28, $0x38;
	[tilespmem:$0x2880] =	vst v63  }
0xf: {  	_ =	swait.ge [sflag:s9], $0x28  }
0x10: {  	[sflag:s9] =	ssyncset.done $0x0  }
0x11: {  	[sflag:s9] =	ssyncadd.s32 $0xFFFFFFD8  }
0x12: {  	[tilespmem:s11], [sflag:$0x1] =	stream.indirect.gather [hbm4b:s2+s10], $0x80, s3, s10, $0xb8;
	[tilespmem:$0x2880] =	vst v63  }
0x13: {  	_ = 	snop  }
0x14: {  	[tilespmem:s12], [sflag:$0x2] =	stream.indirect.gather [hbm4b:s4+s10], $0x80, s3, s10, $0xb8;
	[tilespmem:$0x2880] =	vst v63  }
0x15: {  	_ =	swait.ge [sflag:s13], $0x1400  }
0x16: {  	[sflag:s13] =	ssyncset.done $0x0  }
0x17: {  	[sflag:s13] =	ssyncadd.s32 $0xFFFFEC00  }
0x18: {  	_ =	swait.ge [sflag:s14], $0x1400  }
0x19: {  	[sflag:s14] =	ssyncset.done $0x0  }
0x1a: {  	s16 =	sadd.s32 $0x0, s6;
	[sflag:s14] =	ssyncadd.s32 $0xFFFFEC00  }
0x1b: {  	[hbm4b:s16+s3] =	stream.linear.scatter [tilespmem:s11], [sflag:$0x3], $0x1400, $0x38;
	[tilespmem:$0x2880] =	vst v63  }
0x1c: {  	_ =	swait.ge [sflag:s9], $0x1400  }
0x1d: {  	[sflag:s9] =	ssyncset.done $0x0  }
0x1e: {  	s31 =	sadd.s32 $0x0, s7;
	[sflag:s9] =	ssyncadd.s32 $0xFFFFEC00  }
0x1f: {  	[hbm4b:s31+s3] =	stream.linear.scatter [tilespmem:s12], [sflag:$0x3], $0x1400, $0x38;
	[tilespmem:$0x2880] =	vst v63  }
0x20: {  	_ =	swait.ge [sflag:s9], $0x1400  }
0x21: {  	s17 =	smov.u32 s8;
	s16 =	simm.s32 $0x280;
	[sflag:s9] =	ssyncset.done $0x0  }
.LBB2_2:
0x22: {  	p0 =	sne.s32 s16, $0x1180;
	[sflag:s9] =	ssyncadd.s32 $0xFFFFEC00;
	s17 =	sadd.s32 $0x5, s17  }
0x23: {  	[tilespmem:s3], [sflag:$0x3] =	stream.linear.gather [hbm4b:s17+s3], $0x28, $0x38;
	[tilespmem:$0x2880] =	vst v63  }
0x24: {  	s18 =	smov.u32 s16;
	s16 =	sadd.s32 $0x280, s16;
	_ =	swait.ge [sflag:s9], $0x28  }
0x25: {  	[sflag:s9] =	ssyncset.done $0x0  }
0x26: {  	[sflag:s9] =	ssyncadd.s32 $0xFFFFFFD8  }
0x27: {  	[tilespmem:s11], [sflag:$0x1] =	stream.indirect.gather [hbm4b:s2+s10], $0x80, s3, s10, $0xb8;
	[tilespmem:$0x2880] =	vst v63  }
0x28: {  	_ = 	snop  }
0x29: {  	[tilespmem:s12], [sflag:$0x2] =	stream.indirect.gather [hbm4b:s4+s10], $0x80, s3, s10, $0xb8;
	[tilespmem:$0x2880] =	vst v63  }
0x2a: {  	_ =	swait.ge [sflag:s13], $0x1400  }
0x2b: {  	[sflag:s13] =	ssyncset.done $0x0  }
0x2c: {  	[sflag:s13] =	ssyncadd.s32 $0xFFFFEC00  }
0x2d: {  	_ =	swait.ge [sflag:s14], $0x1400  }
0x2e: {  	[sflag:s14] =	ssyncset.done $0x0  }
0x2f: {  	s19 =	sadd.s32 s18, s6;
	[sflag:s14] =	ssyncadd.s32 $0xFFFFEC00  }
0x30: {  	[hbm4b:s19+s3] =	stream.linear.scatter [tilespmem:s11], [sflag:$0x3], $0x1400, $0x38;
	[tilespmem:$0x2880] =	vst v63  }
0x31: {  	_ =	swait.ge [sflag:s9], $0x1400  }
.Ltmp0:
0x32: {  	[sflag:s9] =	ssyncset.done $0x0;
	(pc) =	sbr.rel @p0 .LBB2_2-.Ltmp0, $4  }
0x33: {  	s18 =	sadd.s32 s18, s7;
	[sflag:s9] =	ssyncadd.s32 $0xFFFFEC00  }
0x34: {  	[hbm4b:s18+s3] =	stream.linear.scatter [tilespmem:s12], [sflag:$0x3], $0x1400, $0x38;
	[tilespmem:$0x2880] =	vst v63  }
0x35: {  	_ =	swait.ge [sflag:s9], $0x1400  }
0x36: {  	[sflag:s9] =	ssyncset.done $0x0  }
0x37: {  	s15 =	sadd.s32 $0x1, s15  }
0x38: {  	p0 =	sne.s32 s15, s5  }
.Ltmp1:
0x39: {  	_ = 	snop;
	(pc) =	sbr.rel @p0 .LBB2_1-.Ltmp1, $2  }
0x3a: {  	_ =	sdelay $0x2  }
0x3b: {  	[sflag:s9] =	ssyncadd.s32 $0xFFFFEC00  }
0x3c: {  	_ =	sfence.sel $0x180000  }
0x3d: {  	[bflag:$0x0] =	sbarrier.arrive $0xFFFF  }
0x3e: {  	p0 =	sne.s32 s1, $0x0;
	_ =	strace $0x9000004A  }
0x3f: {  	s0 =	sadd.s32 @!p0 $0x100000, s0;
	[bflag:$0x2] =	sbarrier.arrive $0xFFFF  }
0x40: {  	[sflag:s0] =	ssyncadd.tile.s32 @!p0 $0x1;
	_ =	shalt  }
.Lfunc_end2:
_tile_overlayer_lowered:
.L_overlay_start_2:
0x41: {  	(tag) =	ssettag $0x2  }
0x42: {  	s0 =	rddreg [dreg:$0x0];
	s2 =	stileid.u32  }
0x43: {  	s1 =	rddreg [dreg:$0x1];
	p0 =	sne.s32 s2, $0x0  }
0x44: {  	s3 =	rddreg [dreg:$0x2];
	[bflag:$0x3] =	sbarrier.arrive $0xFFFF;
	s2 =	simm.s32 @!p0 $0x1C03  }
0x45: {  	[timem:s3], [sflag:s2] =	dma.local @!p0 [hbm:s0], s1  }
0x46: {  	s0 =	simm.s32 @!p0 $0x3  }
0x47: {  	_ =	swait.ge @!p0 [sflag:s0], s1  }
0x48: {  	s1 =	ssub.s32 @!p0 $0x0, s1;
	[sflag:s0] =	ssyncset.done @!p0 $0x0  }
0x49: {  	[sflag:s0] =	ssyncadd.s32 @!p0 s1  }
0x4a: {  	[bflag:$0x3] =	sbarrier.arrive $0xFFFF  }
0x4b: {  	_ =	shalt  }

</sc_bundles>
